<compile_context>
chip_gen: v7x
topology: tpu7x:2x2x1
jax: 0.10.2.dev20260603
libtpu: 0.0.44.dev20260713+nightly
codegen_flags: <defaults>
</compile_context>

<pallas_src>
import functools

import jax
import jax.numpy as jnp
from jax import lax
from jax.experimental import pallas as pl
from jax.experimental.pallas import tpu as pltpu
from jax.experimental.pallas import tpu_sc as plsc

_LEVELS = 16
_LANES = 16
_SC_CORES = 2
_SC_SUBCORES = 16
_SC_WORKERS = _SC_CORES * _SC_SUBCORES

_M_SC = 256


def _tc_body(w_ref, x_ref, o_ref):
    xv = x_ref[...]
    w = [w_ref[0, i] for i in range(_LEVELS - 1)]
    sel = jnp.where
    m1 = xv > w[7]
    t2 = sel(m1, w[11], w[3])
    m2 = xv > t2
    t3 = sel(m2, sel(m1, w[13], w[5]), sel(m1, w[9], w[1]))
    m3 = xv > t3
    t4 = sel(
        m3,
        sel(m2, sel(m1, w[14], w[6]), sel(m1, w[10], w[2])),
        sel(m2, sel(m1, w[12], w[4]), sel(m1, w[8], w[0])),
    )
    m4 = xv > t4
    o_ref[...] = (
        sel(m1, 0.0, -8.0)
        + sel(m2, 4.0, 0.0)
        + sel(m3, 2.0, 0.0)
        + sel(m4, 1.0, 0.0)
    )


def _tc_quantize(x, weights, row_offset):
    M, N = x.shape
    BM = 256
    rows = M - row_offset
    w2 = weights.reshape(1, _LEVELS - 1)
    return pl.pallas_call(
        _tc_body,
        grid=(rows // BM,),
        in_specs=[
            pl.BlockSpec(memory_space=pltpu.SMEM),
            pl.BlockSpec((BM, N), lambda i: (row_offset // BM + i, 0)),
        ],
        out_specs=pl.BlockSpec((BM, N), lambda i: (row_offset // BM + i, 0)),
        out_shape=jax.ShapeDtypeStruct((M, N), jnp.float32),
    )(w2, x)


def _sc_search_vec(xv, wv, w7v):
    i32 = jnp.int32
    pos = jnp.where(xv > w7v, i32(8), i32(0))
    t = plsc.load_gather(wv, [pos + 3])
    pos = pos + jnp.where(xv > t, i32(4), i32(0))
    t = plsc.load_gather(wv, [pos + 1])
    pos = pos + jnp.where(xv > t, i32(2), i32(0))
    t = plsc.load_gather(wv, [pos])
    pos = pos + jnp.where(xv > t, i32(1), i32(0))
    return (pos - 8).astype(jnp.float32)


_CR = 8


def _sc_quantize(x, w16, rows):
    _, N = x.shape
    rows_per_worker = rows // _SC_WORKERS
    nchunks = rows_per_worker // _CR
    mesh = plsc.VectorSubcoreMesh(core_axis_name="c", subcore_axis_name="s")

    @functools.partial(
        pl.kernel,
        out_type=jax.ShapeDtypeStruct((rows, N), jnp.float32),
        mesh=mesh,
        compiler_params=pltpu.CompilerParams(needs_layout_passes=False),
        scratch_types=[
            pltpu.VMEM((_LANES,), jnp.float32),
            pltpu.VMEM((_CR, N), jnp.float32),
            pltpu.VMEM((_CR, N), jnp.float32),
            pltpu.SemaphoreType.DMA,
            pltpu.SemaphoreType.DMA,
            pltpu.SemaphoreType.DMA,
            pltpu.SemaphoreType.DMA,
        ],
    )
    def sc_k(x_hbm, w_hbm, o_hbm, wv, b0, b1, is0, is1, os0, os1):
        wid = lax.axis_index("s") * _SC_CORES + lax.axis_index("c")
        base = wid * rows_per_worker
        bufs, insems, ousems = (b0, b1), (is0, is1), (os0, os1)
        pltpu.sync_copy(w_hbm, wv)
        w7v = plsc.load_gather(wv, [jnp.full((_LANES,), 7, jnp.int32)])

        def start_in(c):
            b = c & 1
            return pltpu.async_copy(
                x_hbm.at[pl.ds(base + c * _CR, _CR)], bufs[b], insems[b]
            )

        in_dma = {0: start_in(0)}
        out_dma = {}
        for c in range(nchunks):
            b = c & 1
            if c >= 1:
                out_dma.pop(c - 1).wait()
            if c + 1 < nchunks:
                in_dma[c + 1] = start_in(c + 1)
            in_dma.pop(c).wait()

            @plsc.parallel_loop(0, N, step=_LANES, unroll=2)
            def vec_body(i):
                for r in range(_CR):
                    xv = bufs[b][r, pl.ds(i, _LANES)]
                    bufs[b][r, pl.ds(i, _LANES)] = _sc_search_vec(xv, wv, w7v)

            out_dma[c] = pltpu.async_copy(
                bufs[b], o_hbm.at[pl.ds(base + c * _CR, _CR)], ousems[b]
            )
        out_dma.pop(nchunks - 1).wait()

    return sc_k(x, w16)


def kernel(x, weights):
    M, N = x.shape
    w16 = jnp.concatenate([weights, weights[-1:]])
    sc_out = _sc_quantize(x, w16, _M_SC)
    tc_full = _tc_quantize(x, weights, _M_SC)
    return lax.dynamic_update_slice(tc_full, sc_out, (0, 0))

# --- scband reference (transcript-rebuilt; emitter-appended) ---
"""Pipeline reference for scband-quantize-layer-47717086659251 (READ-ONLY COPY).

The authoritative reference and input builder live on the scoring server;
editing this copy changes nothing except your own understanding.
"""

import jax, jax.numpy as jnp
import numpy as np

TRAIN_X = np.array([-2.5, -2.1, -1.8, -1.5, -1.3, -1.1, -0.9, -0.7, -0.55, -0.4, -0.3, -0.2, -0.1, 0.0, 0.1, 0.2, 0.3, 0.4, 0.55, 0.7, 0.9, 1.1, 1.3, 1.5, 1.8, 2.1, 2.5], dtype=np.float32)
LEVELS = 16


def setup_inputs(seed: int = 0) -> dict:
    key = jax.random.key(seed)
    x = jax.random.normal(key, (8192, 4096), dtype=jnp.float32)
    # learned parameter: percentile cutoffs of train_x, matching __init__
    q = 100.0 / LEVELS * np.arange(1, LEVELS)
    weights = jnp.asarray(np.percentile(TRAIN_X.flatten(), q).astype(np.float32))
    return {"x": x, "weights": weights}


def reference(x, weights):
    # hard quantization path (soft=False), levels != 2
    res = jnp.zeros_like(x)
    for i in range(LEVELS - 1):
        res = res + (x > weights[i]).astype(jnp.float32)
    return res - (LEVELS // 2)

if __name__ == "__main__":
    import jax
    _d = setup_inputs()
    print(jax.jit(kernel)(*tuple(_d.values())))

</pallas_src>

<mosaic_0001>
#map = affine_map<(d0, d1) -> (0, 0)>
#map1 = affine_map<(d0, d1) -> (0)>
module attributes {stable_mosaic.version = 14 : i64} {
  func.func @sc_k(%arg0: i32, %arg1: i32, %arg2: memref<8192x4096xf32, #tpu.memory_space<hbm>>, %arg3: memref<16xf32, #tpu.memory_space<hbm>>, %arg4: memref<256x4096xf32, #tpu.memory_space<hbm>>, %arg5: memref<16xf32, #tpu.memory_space<vmem>>, %arg6: memref<8x4096xf32, #tpu.memory_space<vmem>>, %arg7: memref<8x4096xf32, #tpu.memory_space<vmem>>, %arg8: memref<!tpu.dma_semaphore, #tpu.memory_space<semaphore_mem>>, %arg9: memref<!tpu.dma_semaphore, #tpu.memory_space<semaphore_mem>>, %arg10: memref<!tpu.dma_semaphore, #tpu.memory_space<semaphore_mem>>, %arg11: memref<!tpu.dma_semaphore, #tpu.memory_space<semaphore_mem>>) attributes {dimension_semantics = [#tpu.dimension_semantics<core_parallel>, #tpu.dimension_semantics<subcore_parallel>], iteration_bounds = array<i64: 2, 16>, scalar_prefetch = 0 : i64, scratch_operands = 7 : i64, tpu.core_type = #tpu.core_type<sc_vector_subcore>, window_params = [{transform_indices = #map}, {transform_indices = #map1}, {transform_indices = #map}]} {
    %mul3A = arith.constant 2 : i32
    %mul3A_0 = arith.muli %arg1, %mul3A : i32
    %add3A = arith.addi %mul3A_0, %arg0 : i32
    %mul3A_1 = arith.constant 8 : i32
    %mul3A_2 = arith.muli %add3A, %mul3A_1 : i32
    "tpu.region"() ({
      %run_scoped3A = tpu.sem_alloc : memref<!tpu.dma_semaphore, #tpu.memory_space<semaphore_mem>>
      tpu.enqueue_dma source(%arg3 : memref<16xf32, #tpu.memory_space<hbm>>) target(%arg5 : memref<16xf32, #tpu.memory_space<vmem>>) target_semaphore(%run_scoped3A : memref<!tpu.dma_semaphore, #tpu.memory_space<semaphore_mem>>)
      tpu.wait_dma2 semaphore(%run_scoped3A : memref<!tpu.dma_semaphore, #tpu.memory_space<semaphore_mem>>) src(%arg3 : memref<16xf32, #tpu.memory_space<hbm>>) dst(%arg5 : memref<16xf32, #tpu.memory_space<vmem>>)
      tpu.yield
    }) : () -> ()
    %broadcast_in_dim3A = arith.constant 7 : i32
    %broadcast_in_dim3A_3 = vector.broadcast %broadcast_in_dim3A : i32 to vector<16xi32>
    %gather3A = tpu.vector_load_idx %arg5[%broadcast_in_dim3A_3] : memref<16xf32, #tpu.memory_space<vmem>>[vector<16xi32>], vector<16xf32>,
    %add3A_4 = arith.constant 0 : i32
    %add3A_5 = arith.addi %mul3A_2, %add3A_4 : i32
    %dma_start3A = arith.constant 0 : i32
    %dma_start3A_6 = tpu.memref_slice %arg2[%add3A_5, %dma_start3A] : memref<8192x4096xf32, #tpu.memory_space<hbm>> -> memref<8x4096xf32, #tpu.memory_space<hbm>>
    %dma_start3A_7 = arith.constant 0 : i32
    %dma_start3A_8 = tpu.memref_slice %arg2[%add3A_5, %dma_start3A_7] : memref<8192x4096xf32, #tpu.memory_space<hbm>> -> memref<8x4096xf32, #tpu.memory_space<hbm>>
    tpu.enqueue_dma source(%dma_start3A_8 : memref<8x4096xf32, #tpu.memory_space<hbm>>) target(%arg6 : memref<8x4096xf32, #tpu.memory_space<vmem>>) target_semaphore(%arg8 : memref<!tpu.dma_semaphore, #tpu.memory_space<semaphore_mem>>)
    %dma_wait3A = arith.constant 0 : i32
    %dma_wait3A_9 = tpu.memref_slice %arg2[%add3A_5, %dma_wait3A] : memref<8192x4096xf32, #tpu.memory_space<hbm>> -> memref<8x4096xf32, #tpu.memory_space<hbm>>
    %dma_wait3A_10 = arith.constant 0 : i32
    %dma_wait3A_11 = tpu.memref_slice %arg2[%add3A_5, %dma_wait3A_10] : memref<8192x4096xf32, #tpu.memory_space<hbm>> -> memref<8x4096xf32, #tpu.memory_space<hbm>>
    tpu.wait_dma2 semaphore(%arg8 : memref<!tpu.dma_semaphore, #tpu.memory_space<semaphore_mem>>) src(%dma_wait3A_11 : memref<8x4096xf32, #tpu.memory_space<hbm>>) dst(%arg6 : memref<8x4096xf32, #tpu.memory_space<vmem>>)
    %parallel_loop3A = arith.constant 0 : i32
    %parallel_loop3A_12 = arith.constant 4096 : i32
    %parallel_loop3A_13 = arith.constant 16 : i32
    scf.for %parallel_loop3A_24 = %parallel_loop3A to %parallel_loop3A_12 step %parallel_loop3A_13  : i32 {
      %parallel_loop3A_25 = arith.constant 0 : i32
      %parallel_loop3A_26 = arith.index_cast %parallel_loop3A_25 : i32 to index
      %parallel_loop3A_27 = arith.index_cast %parallel_loop3A_24 : i32 to index
      %parallel_loop3A_28 = tpu.vector_load %arg6[%parallel_loop3A_26, %parallel_loop3A_27] {strides = array<i32>} : memref<8x4096xf32, #tpu.memory_space<vmem>>, vector<16xf32>,
      %parallel_loop3A_29 = arith.cmpf ogt, %parallel_loop3A_28, %gather3A : vector<16xf32>
      %parallel_loop3A_30 = arith.constant 8 : i32
      %parallel_loop3A_31 = arith.constant 0 : i32
      %parallel_loop3A_32 = vector.broadcast %parallel_loop3A_30 : i32 to vector<16xi32>
      %parallel_loop3A_33 = vector.broadcast %parallel_loop3A_31 : i32 to vector<16xi32>
      %parallel_loop3A_34 = arith.select %parallel_loop3A_29, %parallel_loop3A_32, %parallel_loop3A_33 : vector<16xi1>, vector<16xi32>
      %parallel_loop3A_35 = arith.constant 3 : i32
      %parallel_loop3A_36 = vector.broadcast %parallel_loop3A_35 : i32 to vector<16xi32>
      %parallel_loop3A_37 = arith.addi %parallel_loop3A_34, %parallel_loop3A_36 : vector<16xi32>
      %parallel_loop3A_38 = tpu.vector_load_idx %arg5[%parallel_loop3A_37] : memref<16xf32, #tpu.memory_space<vmem>>[vector<16xi32>], vector<16xf32>,
      %parallel_loop3A_39 = arith.cmpf ogt, %parallel_loop3A_28, %parallel_loop3A_38 : vector<16xf32>
      %parallel_loop3A_40 = arith.constant 4 : i32
      %parallel_loop3A_41 = arith.constant 0 : i32
      %parallel_loop3A_42 = vector.broadcast %parallel_loop3A_40 : i32 to vector<16xi32>
      %parallel_loop3A_43 = vector.broadcast %parallel_loop3A_41 : i32 to vector<16xi32>
      %parallel_loop3A_44 = arith.select %parallel_loop3A_39, %parallel_loop3A_42, %parallel_loop3A_43 : vector<16xi1>, vector<16xi32>
      %parallel_loop3A_45 = arith.addi %parallel_loop3A_34, %parallel_loop3A_44 : vector<16xi32>
      %parallel_loop3A_46 = arith.constant 1 : i32
      %parallel_loop3A_47 = vector.broadcast %parallel_loop3A_46 : i32 to vector<16xi32>
      %parallel_loop3A_48 = arith.addi %parallel_loop3A_45, %parallel_loop3A_47 : vector<16xi32>
      %parallel_loop3A_49 = tpu.vector_load_idx %arg5[%parallel_loop3A_48] : memref<16xf32, #tpu.memory_space<vmem>>[vector<16xi32>], vector<16xf32>,
      %parallel_loop3A_50 = arith.cmpf ogt, %parallel_loop3A_28, %parallel_loop3A_49 : vector<16xf32>
      %parallel_loop3A_51 = arith.constant 2 : i32
      %parallel_loop3A_52 = arith.constant 0 : i32
      %parallel_loop3A_53 = vector.broadcast %parallel_loop3A_51 : i32 to vector<16xi32>
      %parallel_loop3A_54 = vector.broadcast %parallel_loop3A_52 : i32 to vector<16xi32>
      %parallel_loop3A_55 = arith.select %parallel_loop3A_50, %parallel_loop3A_53, %parallel_loop3A_54 : vector<16xi1>, vector<16xi32>
      %parallel_loop3A_56 = arith.addi %parallel_loop3A_45, %parallel_loop3A_55 : vector<16xi32>
      %parallel_loop3A_57 = tpu.vector_load_idx %arg5[%parallel_loop3A_56] : memref<16xf32, #tpu.memory_space<vmem>>[vector<16xi32>], vector<16xf32>,
      %parallel_loop3A_58 = arith.cmpf ogt, %parallel_loop3A_28, %parallel_loop3A_57 : vector<16xf32>
      %parallel_loop3A_59 = arith.constant 1 : i32
      %parallel_loop3A_60 = arith.constant 0 : i32
      %parallel_loop3A_61 = vector.broadcast %parallel_loop3A_59 : i32 to vector<16xi32>
      %parallel_loop3A_62 = vector.broadcast %parallel_loop3A_60 : i32 to vector<16xi32>
      %parallel_loop3A_63 = arith.select %parallel_loop3A_58, %parallel_loop3A_61, %parallel_loop3A_62 : vector<16xi1>, vector<16xi32>
      %parallel_loop3A_64 = arith.addi %parallel_loop3A_56, %parallel_loop3A_63 : vector<16xi32>
      %parallel_loop3A_65 = arith.constant 8 : i32
      %parallel_loop3A_66 = vector.broadcast %parallel_loop3A_65 : i32 to vector<16xi32>
      %parallel_loop3A_67 = arith.subi %parallel_loop3A_64, %parallel_loop3A_66 : vector<16xi32>
      %parallel_loop3A_68 = arith.sitofp %parallel_loop3A_67 : vector<16xi32> to vector<16xf32>
      %parallel_loop3A_69 = arith.constant 0 : i32
      %parallel_loop3A_70 = arith.index_cast %parallel_loop3A_69 : i32 to index
      %parallel_loop3A_71 = arith.index_cast %parallel_loop3A_24 : i32 to index
      %parallel_loop3A_72 = tpu.vector_load %arg6[%parallel_loop3A_70, %parallel_loop3A_71] {strides = array<i32>} : memref<8x4096xf32, #tpu.memory_space<vmem>>, vector<16xf32>,
      tpu.vector_store %arg6[%parallel_loop3A_70, %parallel_loop3A_71], %parallel_loop3A_68 {strides = array<i32>} : memref<8x4096xf32, #tpu.memory_space<vmem>>, vector<16xf32>,
      %parallel_loop3A_73 = arith.constant 1 : i32
      %parallel_loop3A_74 = arith.index_cast %parallel_loop3A_73 : i32 to index
      %parallel_loop3A_75 = arith.index_cast %parallel_loop3A_24 : i32 to index
      %parallel_loop3A_76 = tpu.vector_load %arg6[%parallel_loop3A_74, %parallel_loop3A_75] {strides = array<i32>} : memref<8x4096xf32, #tpu.memory_space<vmem>>, vector<16xf32>,
      %parallel_loop3A_77 = arith.cmpf ogt, %parallel_loop3A_76, %gather3A : vector<16xf32>
      %parallel_loop3A_78 = arith.constant 8 : i32
      %parallel_loop3A_79 = arith.constant 0 : i32
      %parallel_loop3A_80 = vector.broadcast %parallel_loop3A_78 : i32 to vector<16xi32>
      %parallel_loop3A_81 = vector.broadcast %parallel_loop3A_79 : i32 to vector<16xi32>
      %parallel_loop3A_82 = arith.select %parallel_loop3A_77, %parallel_loop3A_80, %parallel_loop3A_81 : vector<16xi1>, vector<16xi32>
      %parallel_loop3A_83 = arith.constant 3 : i32
      %parallel_loop3A_84 = vector.broadcast %parallel_loop3A_83 : i32 to vector<16xi32>
      %parallel_loop3A_85 = arith.addi %parallel_loop3A_82, %parallel_loop3A_84 : vector<16xi32>
      %parallel_loop3A_86 = tpu.vector_load_idx %arg5[%parallel_loop3A_85] : memref<16xf32, #tpu.memory_space<vmem>>[vector<16xi32>], vector<16xf32>,
      %parallel_loop3A_87 = arith.cmpf ogt, %parallel_loop3A_76, %parallel_loop3A_86 : vector<16xf32>
      %parallel_loop3A_88 = arith.constant 4 : i32
      %parallel_loop3A_89 = arith.constant 0 : i32
      %parallel_loop3A_90 = vector.broadcast %parallel_loop3A_88 : i32 to vector<16xi32>
      %parallel_loop3A_91 = vector.broadcast %parallel_loop3A_89 : i32 to vector<16xi32>
      %parallel_loop3A_92 = arith.select %parallel_loop3A_87, %parallel_loop3A_90, %parallel_loop3A_91 : vector<16xi1>, vector<16xi32>
      %parallel_loop3A_93 = arith.addi %parallel_loop3A_82, %parallel_loop3A_92 : vector<16xi32>
      %parallel_loop3A_94 = arith.constant 1 : i32
      %parallel_loop3A_95 = vector.broadcast %parallel_loop3A_94 : i32 to vector<16xi32>
      %parallel_loop3A_96 = arith.addi %parallel_loop3A_93, %parallel_loop3A_95 : vector<16xi32>
      %parallel_loop3A_97 = tpu.vector_load_idx %arg5[%parallel_loop3A_96] : memref<16xf32, #tpu.memory_space<vmem>>[vector<16xi32>], vector<16xf32>,
      %parallel_loop3A_98 = arith.cmpf ogt, %parallel_loop3A_76, %parallel_loop3A_97 : vector<16xf32>
      %parallel_loop3A_99 = arith.constant 2 : i32
      %parallel_loop3A_100 = arith.constant 0 : i32
      %parallel_loop3A_101 = vector.broadcast %parallel_loop3A_99 : i32 to vector<16xi32>
      %parallel_loop3A_102 = vector.broadcast %parallel_loop3A_100 : i32 to vector<16xi32>
      %parallel_loop3A_103 = arith.select %parallel_loop3A_98, %parallel_loop3A_101, %parallel_loop3A_102 : vector<16xi1>, vector<16xi32>
      %parallel_loop3A_104 = arith.addi %parallel_loop3A_93, %parallel_loop3A_103 : vector<16xi32>
      %parallel_loop3A_105 = tpu.vector_load_idx %arg5[%parallel_loop3A_104] : memref<16xf32, #tpu.memory_space<vmem>>[vector<16xi32>], vector<16xf32>,
      %parallel_loop3A_106 = arith.cmpf ogt, %parallel_loop3A_76, %parallel_loop3A_105 : vector<16xf32>
      %parallel_loop3A_107 = arith.constant 1 : i32
      %parallel_loop3A_108 = arith.constant 0 : i32
      %parallel_loop3A_109 = vector.broadcast %parallel_loop3A_107 : i32 to vector<16xi32>
      %parallel_loop3A_110 = vector.broadcast %parallel_loop3A_108 : i32 to vector<16xi32>
      %parallel_loop3A_111 = arith.select %parallel_loop3A_106, %parallel_loop3A_109, %parallel_loop3A_110 : vector<16xi1>, vector<16xi32>
      %parallel_loop3A_112 = arith.addi %parallel_loop3A_104, %parallel_loop3A_111 : vector<16xi32>
      %parallel_loop3A_113 = arith.constant 8 : i32
      %parallel_loop3A_114 = vector.broadcast %parallel_loop3A_113 : i32 to vector<16xi32>
      %parallel_loop3A_115 = arith.subi %parallel_loop3A_112, %parallel_loop3A_114 : vector<16xi32>
      %parallel_loop3A_116 = arith.sitofp %parallel_loop3A_115 : vector<16xi32> to vector<16xf32>
      %parallel_loop3A_117 = arith.constant 1 : i32
      %parallel_loop3A_118 = arith.index_cast %parallel_loop3A_117 : i32 to index
      %parallel_loop3A_119 = arith.index_cast %parallel_loop3A_24 : i32 to index
      %parallel_loop3A_120 = tpu.vector_load %arg6[%parallel_loop3A_118, %parallel_loop3A_119] {strides = array<i32>} : memref<8x4096xf32, #tpu.memory_space<vmem>>, vector<16xf32>,
      tpu.vector_store %arg6[%parallel_loop3A_118, %parallel_loop3A_119], %parallel_loop3A_116 {strides = array<i32>} : memref<8x4096xf32, #tpu.memory_space<vmem>>, vector<16xf32>,
      %parallel_loop3A_121 = arith.constant 2 : i32
      %parallel_loop3A_122 = arith.index_cast %parallel_loop3A_121 : i32 to index
      %parallel_loop3A_123 = arith.index_cast %parallel_loop3A_24 : i32 to index
      %parallel_loop3A_124 = tpu.vector_load %arg6[%parallel_loop3A_122, %parallel_loop3A_123] {strides = array<i32>} : memref<8x4096xf32, #tpu.memory_space<vmem>>, vector<16xf32>,
      %parallel_loop3A_125 = arith.cmpf ogt, %parallel_loop3A_124, %gather3A : vector<16xf32>
      %parallel_loop3A_126 = arith.constant 8 : i32
      %parallel_loop3A_127 = arith.constant 0 : i32
      %parallel_loop3A_128 = vector.broadcast %parallel_loop3A_126 : i32 to vector<16xi32>
      %parallel_loop3A_129 = vector.broadcast %parallel_loop3A_127 : i32 to vector<16xi32>
      %parallel_loop3A_130 = arith.select %parallel_loop3A_125, %parallel_loop3A_128, %parallel_loop3A_129 : vector<16xi1>, vector<16xi32>
      %parallel_loop3A_131 = arith.constant 3 : i32
      %parallel_loop3A_132 = vector.broadcast %parallel_loop3A_131 : i32 to vector<16xi32>
      %parallel_loop3A_133 = arith.addi %parallel_loop3A_130, %parallel_loop3A_132 : vector<16xi32>
      %parallel_loop3A_134 = tpu.vector_load_idx %arg5[%parallel_loop3A_133] : memref<16xf32, #tpu.memory_space<vmem>>[vector<16xi32>], vector<16xf32>,
      %parallel_loop3A_135 = arith.cmpf ogt, %parallel_loop3A_124, %parallel_loop3A_134 : vector<16xf32>
      %parallel_loop3A_136 = arith.constant 4 : i32
      %parallel_loop3A_137 = arith.constant 0 : i32
      %parallel_loop3A_138 = vector.broadcast %parallel_loop3A_136 : i32 to vector<16xi32>
      %parallel_loop3A_139 = vector.broadcast %parallel_loop3A_137 : i32 to vector<16xi32>
      %parallel_loop3A_140 = arith.select %parallel_loop3A_135, %parallel_loop3A_138, %parallel_loop3A_139 : vector<16xi1>, vector<16xi32>
      %parallel_loop3A_141 = arith.addi %parallel_loop3A_130, %parallel_loop3A_140 : vector<16xi32>
      %parallel_loop3A_142 = arith.constant 1 : i32
      %parallel_loop3A_143 = vector.broadcast %parallel_loop3A_142 : i32 to vector<16xi32>
      %parallel_loop3A_144 = arith.addi %parallel_loop3A_141, %parallel_loop3A_143 : vector<16xi32>
      %parallel_loop3A_145 = tpu.vector_load_idx %arg5[%parallel_loop3A_144] : memref<16xf32, #tpu.memory_space<vmem>>[vector<16xi32>], vector<16xf32>,
      %parallel_loop3A_146 = arith.cmpf ogt, %parallel_loop3A_124, %parallel_loop3A_145 : vector<16xf32>
      %parallel_loop3A_147 = arith.constant 2 : i32
      %parallel_loop3A_148 = arith.constant 0 : i32
      %parallel_loop3A_149 = vector.broadcast %parallel_loop3A_147 : i32 to vector<16xi32>
      %parallel_loop3A_150 = vector.broadcast %parallel_loop3A_148 : i32 to vector<16xi32>
      %parallel_loop3A_151 = arith.select %parallel_loop3A_146, %parallel_loop3A_149, %parallel_loop3A_150 : vector<16xi1>, vector<16xi32>
      %parallel_loop3A_152 = arith.addi %parallel_loop3A_141, %parallel_loop3A_151 : vector<16xi32>
      %parallel_loop3A_153 = tpu.vector_load_idx %arg5[%parallel_loop3A_152] : memref<16xf32, #tpu.memory_space<vmem>>[vector<16xi32>], vector<16xf32>,
      %parallel_loop3A_154 = arith.cmpf ogt, %parallel_loop3A_124, %parallel_loop3A_153 : vector<16xf32>
      %parallel_loop3A_155 = arith.constant 1 : i32
      %parallel_loop3A_156 = arith.constant 0 : i32
      %parallel_loop3A_157 = vector.broadcast %parallel_loop3A_155 : i32 to vector<16xi32>
      %parallel_loop3A_158 = vector.broadcast %parallel_loop3A_156 : i32 to vector<16xi32>
      %parallel_loop3A_159 = arith.select %parallel_loop3A_154, %parallel_loop3A_157, %parallel_loop3A_158 : vector<16xi1>, vector<16xi32>
      %parallel_loop3A_160 = arith.addi %parallel_loop3A_152, %parallel_loop3A_159 : vector<16xi32>
      %parallel_loop3A_161 = arith.constant 8 : i32
      %parallel_loop3A_162 = vector.broadcast %parallel_loop3A_161 : i32 to vector<16xi32>
      %parallel_loop3A_163 = arith.subi %parallel_loop3A_160, %parallel_loop3A_162 : vector<16xi32>
      %parallel_loop3A_164 = arith.sitofp %parallel_loop3A_163 : vector<16xi32> to vector<16xf32>
      %parallel_loop3A_165 = arith.constant 2 : i32
      %parallel_loop3A_166 = arith.index_cast %parallel_loop3A_165 : i32 to index
      %parallel_loop3A_167 = arith.index_cast %parallel_loop3A_24 : i32 to index
      %parallel_loop3A_168 = tpu.vector_load %arg6[%parallel_loop3A_166, %parallel_loop3A_167] {strides = array<i32>} : memref<8x4096xf32, #tpu.memory_space<vmem>>, vector<16xf32>,
      tpu.vector_store %arg6[%parallel_loop3A_166, %parallel_loop3A_167], %parallel_loop3A_164 {strides = array<i32>} : memref<8x4096xf32, #tpu.memory_space<vmem>>, vector<16xf32>,
      %parallel_loop3A_169 = arith.constant 3 : i32
      %parallel_loop3A_170 = arith.index_cast %parallel_loop3A_169 : i32 to index
      %parallel_loop3A_171 = arith.index_cast %parallel_loop3A_24 : i32 to index
      %parallel_loop3A_172 = tpu.vector_load %arg6[%parallel_loop3A_170, %parallel_loop3A_171] {strides = array<i32>} : memref<8x4096xf32, #tpu.memory_space<vmem>>, vector<16xf32>,
      %parallel_loop3A_173 = arith.cmpf ogt, %parallel_loop3A_172, %gather3A : vector<16xf32>
      %parallel_loop3A_174 = arith.constant 8 : i32
      %parallel_loop3A_175 = arith.constant 0 : i32
      %parallel_loop3A_176 = vector.broadcast %parallel_loop3A_174 : i32 to vector<16xi32>
      %parallel_loop3A_177 = vector.broadcast %parallel_loop3A_175 : i32 to vector<16xi32>
      %parallel_loop3A_178 = arith.select %parallel_loop3A_173, %parallel_loop3A_176, %parallel_loop3A_177 : vector<16xi1>, vector<16xi32>
      %parallel_loop3A_179 = arith.constant 3 : i32
      %parallel_loop3A_180 = vector.broadcast %parallel_loop3A_179 : i32 to vector<16xi32>
      %parallel_loop3A_181 = arith.addi %parallel_loop3A_178, %parallel_loop3A_180 : vector<16xi32>
      %parallel_loop3A_182 = tpu.vector_load_idx %arg5[%parallel_loop3A_181] : memref<16xf32, #tpu.memory_space<vmem>>[vector<16xi32>], vector<16xf32>,
      %parallel_loop3A_183 = arith.cmpf ogt, %parallel_loop3A_172, %parallel_loop3A_182 : vector<16xf32>
      %parallel_loop3A_184 = arith.constant 4 : i32
      %parallel_loop3A_185 = arith.constant 0 : i32
      %parallel_loop3A_186 = vector.broadcast %parallel_loop3A_184 : i32 to vector<16xi32>
      %parallel_loop3A_187 = vector.broadcast %parallel_loop3A_185 : i32 to vector<16xi32>
      %parallel_loop3A_188 = arith.select %parallel_loop3A_183, %parallel_loop3A_186, %parallel_loop3A_187 : vector<16xi1>, vector<16xi32>
      %parallel_loop3A_189 = arith.addi %parallel_loop3A_178, %parallel_loop3A_188 : vector<16xi32>
      %parallel_loop3A_190 = arith.constant 1 : i32
      %parallel_loop3A_191 = vector.broadcast %parallel_loop3A_190 : i32 to vector<16xi32>
      %parallel_loop3A_192 = arith.addi %parallel_loop3A_189, %parallel_loop3A_191 : vector<16xi32>
      %parallel_loop3A_193 = tpu.vector_load_idx %arg5[%parallel_loop3A_192] : memref<16xf32, #tpu.memory_space<vmem>>[vector<16xi32>], vector<16xf32>,
      %parallel_loop3A_194 = arith.cmpf ogt, %parallel_loop3A_172, %parallel_loop3A_193 : vector<16xf32>
      %parallel_loop3A_195 = arith.constant 2 : i32
      %parallel_loop3A_196 = arith.constant 0 : i32
      %parallel_loop3A_197 = vector.broadcast %parallel_loop3A_195 : i32 to vector<16xi32>
      %parallel_loop3A_198 = vector.broadcast %parallel_loop3A_196 : i32 to vector<16xi32>
      %parallel_loop3A_199 = arith.select %parallel_loop3A_194, %parallel_loop3A_197, %parallel_loop3A_198 : vector<16xi1>, vector<16xi32>
      %parallel_loop3A_200 = arith.addi %parallel_loop3A_189, %parallel_loop3A_199 : vector<16xi32>
      %parallel_loop3A_201 = tpu.vector_load_idx %arg5[%parallel_loop3A_200] : memref<16xf32, #tpu.memory_space<vmem>>[vector<16xi32>], vector<16xf32>,
      %parallel_loop3A_202 = arith.cmpf ogt, %parallel_loop3A_172, %parallel_loop3A_201 : vector<16xf32>
      %parallel_loop3A_203 = arith.constant 1 : i32
      %parallel_loop3A_204 = arith.constant 0 : i32
      %parallel_loop3A_205 = vector.broadcast %parallel_loop3A_203 : i32 to vector<16xi32>
      %parallel_loop3A_206 = vector.broadcast %parallel_loop3A_204 : i32 to vector<16xi32>
      %parallel_loop3A_207 = arith.select %parallel_loop3A_202, %parallel_loop3A_205, %parallel_loop3A_206 : vector<16xi1>, vector<16xi32>
      %parallel_loop3A_208 = arith.addi %parallel_loop3A_200, %parallel_loop3A_207 : vector<16xi32>
      %parallel_loop3A_209 = arith.constant 8 : i32
      %parallel_loop3A_210 = vector.broadcast %parallel_loop3A_209 : i32 to vector<16xi32>
      %parallel_loop3A_211 = arith.subi %parallel_loop3A_208, %parallel_loop3A_210 : vector<16xi32>
      %parallel_loop3A_212 = arith.sitofp %parallel_loop3A_211 : vector<16xi32> to vector<16xf32>
      %parallel_loop3A_213 = arith.constant 3 : i32
      %parallel_loop3A_214 = arith.index_cast %parallel_loop3A_213 : i32 to index
      %parallel_loop3A_215 = arith.index_cast %parallel_loop3A_24 : i32 to index
      %parallel_loop3A_216 = tpu.vector_load %arg6[%parallel_loop3A_214, %parallel_loop3A_215] {strides = array<i32>} : memref<8x4096xf32, #tpu.memory_space<vmem>>, vector<16xf32>,
      tpu.vector_store %arg6[%parallel_loop3A_214, %parallel_loop3A_215], %parallel_loop3A_212 {strides = array<i32>} : memref<8x4096xf32, #tpu.memory_space<vmem>>, vector<16xf32>,
      %parallel_loop3A_217 = arith.constant 4 : i32
      %parallel_loop3A_218 = arith.index_cast %parallel_loop3A_217 : i32 to index
      %parallel_loop3A_219 = arith.index_cast %parallel_loop3A_24 : i32 to index
      %parallel_loop3A_220 = tpu.vector_load %arg6[%parallel_loop3A_218, %parallel_loop3A_219] {strides = array<i32>} : memref<8x4096xf32, #tpu.memory_space<vmem>>, vector<16xf32>,
      %parallel_loop3A_221 = arith.cmpf ogt, %parallel_loop3A_220, %gather3A : vector<16xf32>
      %parallel_loop3A_222 = arith.constant 8 : i32
      %parallel_loop3A_223 = arith.constant 0 : i32
      %parallel_loop3A_224 = vector.broadcast %parallel_loop3A_222 : i32 to vector<16xi32>
      %parallel_loop3A_225 = vector.broadcast %parallel_loop3A_223 : i32 to vector<16xi32>
      %parallel_loop3A_226 = arith.select %parallel_loop3A_221, %parallel_loop3A_224, %parallel_loop3A_225 : vector<16xi1>, vector<16xi32>
      %parallel_loop3A_227 = arith.constant 3 : i32
      %parallel_loop3A_228 = vector.broadcast %parallel_loop3A_227 : i32 to vector<16xi32>
      %parallel_loop3A_229 = arith.addi %parallel_loop3A_226, %parallel_loop3A_228 : vector<16xi32>
      %parallel_loop3A_230 = tpu.vector_load_idx %arg5[%parallel_loop3A_229] : memref<16xf32, #tpu.memory_space<vmem>>[vector<16xi32>], vector<16xf32>,
      %parallel_loop3A_231 = arith.cmpf ogt, %parallel_loop3A_220, %parallel_loop3A_230 : vector<16xf32>
      %parallel_loop3A_232 = arith.constant 4 : i32
      %parallel_loop3A_233 = arith.constant 0 : i32
      %parallel_loop3A_234 = vector.broadcast %parallel_loop3A_232 : i32 to vector<16xi32>
      %parallel_loop3A_235 = vector.broadcast %parallel_loop3A_233 : i32 to vector<16xi32>
      %parallel_loop3A_236 = arith.select %parallel_loop3A_231, %parallel_loop3A_234, %parallel_loop3A_235 : vector<16xi1>, vector<16xi32>
      %parallel_loop3A_237 = arith.addi %parallel_loop3A_226, %parallel_loop3A_236 : vector<16xi32>
      %parallel_loop3A_238 = arith.constant 1 : i32
      %parallel_loop3A_239 = vector.broadcast %parallel_loop3A_238 : i32 to vector<16xi32>
      %parallel_loop3A_240 = arith.addi %parallel_loop3A_237, %parallel_loop3A_239 : vector<16xi32>
      %parallel_loop3A_241 = tpu.vector_load_idx %arg5[%parallel_loop3A_240] : memref<16xf32, #tpu.memory_space<vmem>>[vector<16xi32>], vector<16xf32>,
      %parallel_loop3A_242 = arith.cmpf ogt, %parallel_loop3A_220, %parallel_loop3A_241 : vector<16xf32>
      %parallel_loop3A_243 = arith.constant 2 : i32
      %parallel_loop3A_244 = arith.constant 0 : i32
      %parallel_loop3A_245 = vector.broadcast %parallel_loop3A_243 : i32 to vector<16xi32>
      %parallel_loop3A_246 = vector.broadcast %parallel_loop3A_244 : i32 to vector<16xi32>
      %parallel_loop3A_247 = arith.select %parallel_loop3A_242, %parallel_loop3A_245, %parallel_loop3A_246 : vector<16xi1>, vector<16xi32>
      %parallel_loop3A_248 = arith.addi %parallel_loop3A_237, %parallel_loop3A_247 : vector<16xi32>
      %parallel_loop3A_249 = tpu.vector_load_idx %arg5[%parallel_loop3A_248] : memref<16xf32, #tpu.memory_space<vmem>>[vector<16xi32>], vector<16xf32>,
      %parallel_loop3A_250 = arith.cmpf ogt, %parallel_loop3A_220, %parallel_loop3A_249 : vector<16xf32>
      %parallel_loop3A_251 = arith.constant 1 : i32
      %parallel_loop3A_252 = arith.constant 0 : i32
      %parallel_loop3A_253 = vector.broadcast %parallel_loop3A_251 : i32 to vector<16xi32>
      %parallel_loop3A_254 = vector.broadcast %parallel_loop3A_252 : i32 to vector<16xi32>
      %parallel_loop3A_255 = arith.select %parallel_loop3A_250, %parallel_loop3A_253, %parallel_loop3A_254 : vector<16xi1>, vector<16xi32>
      %parallel_loop3A_256 = arith.addi %parallel_loop3A_248, %parallel_loop3A_255 : vector<16xi32>
      %parallel_loop3A_257 = arith.constant 8 : i32
      %parallel_loop3A_258 = vector.broadcast %parallel_loop3A_257 : i32 to vector<16xi32>
      %parallel_loop3A_259 = arith.subi %parallel_loop3A_256, %parallel_loop3A_258 : vector<16xi32>
      %parallel_loop3A_260 = arith.sitofp %parallel_loop3A_259 : vector<16xi32> to vector<16xf32>
      %parallel_loop3A_261 = arith.constant 4 : i32
      %parallel_loop3A_262 = arith.index_cast %parallel_loop3A_261 : i32 to index
      %parallel_loop3A_263 = arith.index_cast %parallel_loop3A_24 : i32 to index
      %parallel_loop3A_264 = tpu.vector_load %arg6[%parallel_loop3A_262, %parallel_loop3A_263] {strides = array<i32>} : memref<8x4096xf32, #tpu.memory_space<vmem>>, vector<16xf32>,
      tpu.vector_store %arg6[%parallel_loop3A_262, %parallel_loop3A_263], %parallel_loop3A_260 {strides = array<i32>} : memref<8x4096xf32, #tpu.memory_space<vmem>>, vector<16xf32>,
      %parallel_loop3A_265 = arith.constant 5 : i32
      %parallel_loop3A_266 = arith.index_cast %parallel_loop3A_265 : i32 to index
      %parallel_loop3A_267 = arith.index_cast %parallel_loop3A_24 : i32 to index
      %parallel_loop3A_268 = tpu.vector_load %arg6[%parallel_loop3A_266, %parallel_loop3A_267] {strides = array<i32>} : memref<8x4096xf32, #tpu.memory_space<vmem>>, vector<16xf32>,
      %parallel_loop3A_269 = arith.cmpf ogt, %parallel_loop3A_268, %gather3A : vector<16xf32>
      %parallel_loop3A_270 = arith.constant 8 : i32
      %parallel_loop3A_271 = arith.constant 0 : i32
      %parallel_loop3A_272 = vector.broadcast %parallel_loop3A_270 : i32 to vector<16xi32>
      %parallel_loop3A_273 = vector.broadcast %parallel_loop3A_271 : i32 to vector<16xi32>
      %parallel_loop3A_274 = arith.select %parallel_loop3A_269, %parallel_loop3A_272, %parallel_loop3A_273 : vector<16xi1>, vector<16xi32>
      %parallel_loop3A_275 = arith.constant 3 : i32
      %parallel_loop3A_276 = vector.broadcast %parallel_loop3A_275 : i32 to vector<16xi32>
      %parallel_loop3A_277 = arith.addi %parallel_loop3A_274, %parallel_loop3A_276 : vector<16xi32>
      %parallel_loop3A_278 = tpu.vector_load_idx %arg5[%parallel_loop3A_277] : memref<16xf32, #tpu.memory_space<vmem>>[vector<16xi32>], vector<16xf32>,
      %parallel_loop3A_279 = arith.cmpf ogt, %parallel_loop3A_268, %parallel_loop3A_278 : vector<16xf32>
      %parallel_loop3A_280 = arith.constant 4 : i32
      %parallel_loop3A_281 = arith.constant 0 : i32
      %parallel_loop3A_282 = vector.broadcast %parallel_loop3A_280 : i32 to vector<16xi32>
      %parallel_loop3A_283 = vector.broadcast %parallel_loop3A_281 : i32 to vector<16xi32>
      %parallel_loop3A_284 = arith.select %parallel_loop3A_279, %parallel_loop3A_282, %parallel_loop3A_283 : vector<16xi1>, vector<16xi32>
      %parallel_loop3A_285 = arith.addi %parallel_loop3A_274, %parallel_loop3A_284 : vector<16xi32>
      %parallel_loop3A_286 = arith.constant 1 : i32
      %parallel_loop3A_287 = vector.broadcast %parallel_loop3A_286 : i32 to vector<16xi32>
      %parallel_loop3A_288 = arith.addi %parallel_loop3A_285, %parallel_loop3A_287 : vector<16xi32>
      %parallel_loop3A_289 = tpu.vector_load_idx %arg5[%parallel_loop3A_288] : memref<16xf32, #tpu.memory_space<vmem>>[vector<16xi32>], vector<16xf32>,
      %parallel_loop3A_290 = arith.cmpf ogt, %parallel_loop3A_268, %parallel_loop3A_289 : vector<16xf32>
      %parallel_loop3A_291 = arith.constant 2 : i32
      %parallel_loop3A_292 = arith.constant 0 : i32
      %parallel_loop3A_293 = vector.broadcast %parallel_loop3A_291 : i32 to vector<16xi32>
      %parallel_loop3A_294 = vector.broadcast %parallel_loop3A_292 : i32 to vector<16xi32>
      %parallel_loop3A_295 = arith.select %parallel_loop3A_290, %parallel_loop3A_293, %parallel_loop3A_294 : vector<16xi1>, vector<16xi32>
      %parallel_loop3A_296 = arith.addi %parallel_loop3A_285, %parallel_loop3A_295 : vector<16xi32>
      %parallel_loop3A_297 = tpu.vector_load_idx %arg5[%parallel_loop3A_296] : memref<16xf32, #tpu.memory_space<vmem>>[vector<16xi32>], vector<16xf32>,
      %parallel_loop3A_298 = arith.cmpf ogt, %parallel_loop3A_268, %parallel_loop3A_297 : vector<16xf32>
      %parallel_loop3A_299 = arith.constant 1 : i32
      %parallel_loop3A_300 = arith.constant 0 : i32
      %parallel_loop3A_301 = vector.broadcast %parallel_loop3A_299 : i32 to vector<16xi32>
      %parallel_loop3A_302 = vector.broadcast %parallel_loop3A_300 : i32 to vector<16xi32>
      %parallel_loop3A_303 = arith.select %parallel_loop3A_298, %parallel_loop3A_301, %parallel_loop3A_302 : vector<16xi1>, vector<16xi32>
      %parallel_loop3A_304 = arith.addi %parallel_loop3A_296, %parallel_loop3A_303 : vector<16xi32>
      %parallel_loop3A_305 = arith.constant 8 : i32
      %parallel_loop3A_306 = vector.broadcast %parallel_loop3A_305 : i32 to vector<16xi32>
      %parallel_loop3A_307 = arith.subi %parallel_loop3A_304, %parallel_loop3A_306 : vector<16xi32>
      %parallel_loop3A_308 = arith.sitofp %parallel_loop3A_307 : vector<16xi32> to vector<16xf32>
      %parallel_loop3A_309 = arith.constant 5 : i32
      %parallel_loop3A_310 = arith.index_cast %parallel_loop3A_309 : i32 to index
      %parallel_loop3A_311 = arith.index_cast %parallel_loop3A_24 : i32 to index
      %parallel_loop3A_312 = tpu.vector_load %arg6[%parallel_loop3A_310, %parallel_loop3A_311] {strides = array<i32>} : memref<8x4096xf32, #tpu.memory_space<vmem>>, vector<16xf32>,
      tpu.vector_store %arg6[%parallel_loop3A_310, %parallel_loop3A_311], %parallel_loop3A_308 {strides = array<i32>} : memref<8x4096xf32, #tpu.memory_space<vmem>>, vector<16xf32>,
      %parallel_loop3A_313 = arith.constant 6 : i32
      %parallel_loop3A_314 = arith.index_cast %parallel_loop3A_313 : i32 to index
      %parallel_loop3A_315 = arith.index_cast %parallel_loop3A_24 : i32 to index
      %parallel_loop3A_316 = tpu.vector_load %arg6[%parallel_loop3A_314, %parallel_loop3A_315] {strides = array<i32>} : memref<8x4096xf32, #tpu.memory_space<vmem>>, vector<16xf32>,
      %parallel_loop3A_317 = arith.cmpf ogt, %parallel_loop3A_316, %gather3A : vector<16xf32>
      %parallel_loop3A_318 = arith.constant 8 : i32
      %parallel_loop3A_319 = arith.constant 0 : i32
      %parallel_loop3A_320 = vector.broadcast %parallel_loop3A_318 : i32 to vector<16xi32>
      %parallel_loop3A_321 = vector.broadcast %parallel_loop3A_319 : i32 to vector<16xi32>
      %parallel_loop3A_322 = arith.select %parallel_loop3A_317, %parallel_loop3A_320, %parallel_loop3A_321 : vector<16xi1>, vector<16xi32>
      %parallel_loop3A_323 = arith.constant 3 : i32
      %parallel_loop3A_324 = vector.broadcast %parallel_loop3A_323 : i32 to vector<16xi32>
      %parallel_loop3A_325 = arith.addi %parallel_loop3A_322, %parallel_loop3A_324 : vector<16xi32>
      %parallel_loop3A_326 = tpu.vector_load_idx %arg5[%parallel_loop3A_325] : memref<16xf32, #tpu.memory_space<vmem>>[vector<16xi32>], vector<16xf32>,
      %parallel_loop3A_327 = arith.cmpf ogt, %parallel_loop3A_316, %parallel_loop3A_326 : vector<16xf32>
      %parallel_loop3A_328 = arith.constant 4 : i32
      %parallel_loop3A_329 = arith.constant 0 : i32
      %parallel_loop3A_330 = vector.broadcast %parallel_loop3A_328 : i32 to vector<16xi32>
      %parallel_loop3A_331 = vector.broadcast %parallel_loop3A_329 : i32 to vector<16xi32>
      %parallel_loop3A_332 = arith.select %parallel_loop3A_327, %parallel_loop3A_330, %parallel_loop3A_331 : vector<16xi1>, vector<16xi32>
      %parallel_loop3A_333 = arith.addi %parallel_loop3A_322, %parallel_loop3A_332 : vector<16xi32>
      %parallel_loop3A_334 = arith.constant 1 : i32
      %parallel_loop3A_335 = vector.broadcast %parallel_loop3A_334 : i32 to vector<16xi32>
      %parallel_loop3A_336 = arith.addi %parallel_loop3A_333, %parallel_loop3A_335 : vector<16xi32>
      %parallel_loop3A_337 = tpu.vector_load_idx %arg5[%parallel_loop3A_336] : memref<16xf32, #tpu.memory_space<vmem>>[vector<16xi32>], vector<16xf32>,
      %parallel_loop3A_338 = arith.cmpf ogt, %parallel_loop3A_316, %parallel_loop3A_337 : vector<16xf32>
      %parallel_loop3A_339 = arith.constant 2 : i32
      %parallel_loop3A_340 = arith.constant 0 : i32
      %parallel_loop3A_341 = vector.broadcast %parallel_loop3A_339 : i32 to vector<16xi32>
      %parallel_loop3A_342 = vector.broadcast %parallel_loop3A_340 : i32 to vector<16xi32>
      %parallel_loop3A_343 = arith.select %parallel_loop3A_338, %parallel_loop3A_341, %parallel_loop3A_342 : vector<16xi1>, vector<16xi32>
      %parallel_loop3A_344 = arith.addi %parallel_loop3A_333, %parallel_loop3A_343 : vector<16xi32>
      %parallel_loop3A_345 = tpu.vector_load_idx %arg5[%parallel_loop3A_344] : memref<16xf32, #tpu.memory_space<vmem>>[vector<16xi32>], vector<16xf32>,
      %parallel_loop3A_346 = arith.cmpf ogt, %parallel_loop3A_316, %parallel_loop3A_345 : vector<16xf32>
      %parallel_loop3A_347 = arith.constant 1 : i32
      %parallel_loop3A_348 = arith.constant 0 : i32
      %parallel_loop3A_349 = vector.broadcast %parallel_loop3A_347 : i32 to vector<16xi32>
      %parallel_loop3A_350 = vector.broadcast %parallel_loop3A_348 : i32 to vector<16xi32>
      %parallel_loop3A_351 = arith.select %parallel_loop3A_346, %parallel_loop3A_349, %parallel_loop3A_350 : vector<16xi1>, vector<16xi32>
      %parallel_loop3A_352 = arith.addi %parallel_loop3A_344, %parallel_loop3A_351 : vector<16xi32>
      %parallel_loop3A_353 = arith.constant 8 : i32
      %parallel_loop3A_354 = vector.broadcast %parallel_loop3A_353 : i32 to vector<16xi32>
      %parallel_loop3A_355 = arith.subi %parallel_loop3A_352, %parallel_loop3A_354 : vector<16xi32>
      %parallel_loop3A_356 = arith.sitofp %parallel_loop3A_355 : vector<16xi32> to vector<16xf32>
      %parallel_loop3A_357 = arith.constant 6 : i32
      %parallel_loop3A_358 = arith.index_cast %parallel_loop3A_357 : i32 to index
      %parallel_loop3A_359 = arith.index_cast %parallel_loop3A_24 : i32 to index
      %parallel_loop3A_360 = tpu.vector_load %arg6[%parallel_loop3A_358, %parallel_loop3A_359] {strides = array<i32>} : memref<8x4096xf32, #tpu.memory_space<vmem>>, vector<16xf32>,
      tpu.vector_store %arg6[%parallel_loop3A_358, %parallel_loop3A_359], %parallel_loop3A_356 {strides = array<i32>} : memref<8x4096xf32, #tpu.memory_space<vmem>>, vector<16xf32>,
      %parallel_loop3A_361 = arith.constant 7 : i32
      %parallel_loop3A_362 = arith.index_cast %parallel_loop3A_361 : i32 to index
      %parallel_loop3A_363 = arith.index_cast %parallel_loop3A_24 : i32 to index
      %parallel_loop3A_364 = tpu.vector_load %arg6[%parallel_loop3A_362, %parallel_loop3A_363] {strides = array<i32>} : memref<8x4096xf32, #tpu.memory_space<vmem>>, vector<16xf32>,
      %parallel_loop3A_365 = arith.cmpf ogt, %parallel_loop3A_364, %gather3A : vector<16xf32>
      %parallel_loop3A_366 = arith.constant 8 : i32
      %parallel_loop3A_367 = arith.constant 0 : i32
      %parallel_loop3A_368 = vector.broadcast %parallel_loop3A_366 : i32 to vector<16xi32>
      %parallel_loop3A_369 = vector.broadcast %parallel_loop3A_367 : i32 to vector<16xi32>
      %parallel_loop3A_370 = arith.select %parallel_loop3A_365, %parallel_loop3A_368, %parallel_loop3A_369 : vector<16xi1>, vector<16xi32>
      %parallel_loop3A_371 = arith.constant 3 : i32
      %parallel_loop3A_372 = vector.broadcast %parallel_loop3A_371 : i32 to vector<16xi32>
      %parallel_loop3A_373 = arith.addi %parallel_loop3A_370, %parallel_loop3A_372 : vector<16xi32>
      %parallel_loop3A_374 = tpu.vector_load_idx %arg5[%parallel_loop3A_373] : memref<16xf32, #tpu.memory_space<vmem>>[vector<16xi32>], vector<16xf32>,
      %parallel_loop3A_375 = arith.cmpf ogt, %parallel_loop3A_364, %parallel_loop3A_374 : vector<16xf32>
      %parallel_loop3A_376 = arith.constant 4 : i32
      %parallel_loop3A_377 = arith.constant 0 : i32
      %parallel_loop3A_378 = vector.broadcast %parallel_loop3A_376 : i32 to vector<16xi32>
      %parallel_loop3A_379 = vector.broadcast %parallel_loop3A_377 : i32 to vector<16xi32>
      %parallel_loop3A_380 = arith.select %parallel_loop3A_375, %parallel_loop3A_378, %parallel_loop3A_379 : vector<16xi1>, vector<16xi32>
      %parallel_loop3A_381 = arith.addi %parallel_loop3A_370, %parallel_loop3A_380 : vector<16xi32>
      %parallel_loop3A_382 = arith.constant 1 : i32
      %parallel_loop3A_383 = vector.broadcast %parallel_loop3A_382 : i32 to vector<16xi32>
      %parallel_loop3A_384 = arith.addi %parallel_loop3A_381, %parallel_loop3A_383 : vector<16xi32>
      %parallel_loop3A_385 = tpu.vector_load_idx %arg5[%parallel_loop3A_384] : memref<16xf32, #tpu.memory_space<vmem>>[vector<16xi32>], vector<16xf32>,
      %parallel_loop3A_386 = arith.cmpf ogt, %parallel_loop3A_364, %parallel_loop3A_385 : vector<16xf32>
      %parallel_loop3A_387 = arith.constant 2 : i32
      %parallel_loop3A_388 = arith.constant 0 : i32
      %parallel_loop3A_389 = vector.broadcast %parallel_loop3A_387 : i32 to vector<16xi32>
      %parallel_loop3A_390 = vector.broadcast %parallel_loop3A_388 : i32 to vector<16xi32>
      %parallel_loop3A_391 = arith.select %parallel_loop3A_386, %parallel_loop3A_389, %parallel_loop3A_390 : vector<16xi1>, vector<16xi32>
      %parallel_loop3A_392 = arith.addi %parallel_loop3A_381, %parallel_loop3A_391 : vector<16xi32>
      %parallel_loop3A_393 = tpu.vector_load_idx %arg5[%parallel_loop3A_392] : memref<16xf32, #tpu.memory_space<vmem>>[vector<16xi32>], vector<16xf32>,
      %parallel_loop3A_394 = arith.cmpf ogt, %parallel_loop3A_364, %parallel_loop3A_393 : vector<16xf32>
      %parallel_loop3A_395 = arith.constant 1 : i32
      %parallel_loop3A_396 = arith.constant 0 : i32
      %parallel_loop3A_397 = vector.broadcast %parallel_loop3A_395 : i32 to vector<16xi32>
      %parallel_loop3A_398 = vector.broadcast %parallel_loop3A_396 : i32 to vector<16xi32>
      %parallel_loop3A_399 = arith.select %parallel_loop3A_394, %parallel_loop3A_397, %parallel_loop3A_398 : vector<16xi1>, vector<16xi32>
      %parallel_loop3A_400 = arith.addi %parallel_loop3A_392, %parallel_loop3A_399 : vector<16xi32>
      %parallel_loop3A_401 = arith.constant 8 : i32
      %parallel_loop3A_402 = vector.broadcast %parallel_loop3A_401 : i32 to vector<16xi32>
      %parallel_loop3A_403 = arith.subi %parallel_loop3A_400, %parallel_loop3A_402 : vector<16xi32>
      %parallel_loop3A_404 = arith.sitofp %parallel_loop3A_403 : vector<16xi32> to vector<16xf32>
      %parallel_loop3A_405 = arith.constant 7 : i32
      %parallel_loop3A_406 = arith.index_cast %parallel_loop3A_405 : i32 to index
      %parallel_loop3A_407 = arith.index_cast %parallel_loop3A_24 : i32 to index
      %parallel_loop3A_408 = tpu.vector_load %arg6[%parallel_loop3A_406, %parallel_loop3A_407] {strides = array<i32>} : memref<8x4096xf32, #tpu.memory_space<vmem>>, vector<16xf32>,
      tpu.vector_store %arg6[%parallel_loop3A_406, %parallel_loop3A_407], %parallel_loop3A_404 {strides = array<i32>} : memref<8x4096xf32, #tpu.memory_space<vmem>>, vector<16xf32>,
    } {sc.loop_unroll_factor = 2 : i64, sc.parallel_access}
    %add3A_14 = arith.constant 0 : i32
    %add3A_15 = arith.addi %mul3A_2, %add3A_14 : i32
    %dma_start3A_16 = arith.constant 0 : i32
    %dma_start3A_17 = tpu.memref_slice %arg4[%add3A_15, %dma_start3A_16] : memref<256x4096xf32, #tpu.memory_space<hbm>> -> memref<8x4096xf32, #tpu.memory_space<hbm>>
    %dma_start3A_18 = arith.constant 0 : i32
    %dma_start3A_19 = tpu.memref_slice %arg4[%add3A_15, %dma_start3A_18] : memref<256x4096xf32, #tpu.memory_space<hbm>> -> memref<8x4096xf32, #tpu.memory_space<hbm>>
    tpu.enqueue_dma source(%arg6 : memref<8x4096xf32, #tpu.memory_space<vmem>>) target(%dma_start3A_19 : memref<8x4096xf32, #tpu.memory_space<hbm>>) target_semaphore(%arg10 : memref<!tpu.dma_semaphore, #tpu.memory_space<semaphore_mem>>)
    %dma_wait3A_20 = arith.constant 0 : i32
    %dma_wait3A_21 = tpu.memref_slice %arg4[%add3A_15, %dma_wait3A_20] : memref<256x4096xf32, #tpu.memory_space<hbm>> -> memref<8x4096xf32, #tpu.memory_space<hbm>>
    %dma_wait3A_22 = arith.constant 0 : i32
    %dma_wait3A_23 = tpu.memref_slice %arg4[%add3A_15, %dma_wait3A_22] : memref<256x4096xf32, #tpu.memory_space<hbm>> -> memref<8x4096xf32, #tpu.memory_space<hbm>>
    tpu.wait_dma2 semaphore(%arg10 : memref<!tpu.dma_semaphore, #tpu.memory_space<semaphore_mem>>) src(%arg6 : memref<8x4096xf32, #tpu.memory_space<vmem>>) dst(%dma_wait3A_23 : memref<8x4096xf32, #tpu.memory_space<hbm>>)
    return
  }
}

module attributes {stable_mosaic.version = 14 : i64} {
  func.func @_tc_body(%arg0: i32, %arg1: memref<1x15xf32, #tpu.memory_space<smem>>, %arg2: memref<256x4096xf32, #tpu.memory_space<vmem>>, %arg3: memref<256x4096xf32, #tpu.memory_space<vmem>>) attributes {dimension_semantics = [#tpu.dimension_semantics<arbitrary>], iteration_bounds = array<i64: 31>, scalar_prefetch = 0 : i64, scratch_operands = 0 : i64, tpu.core_type = #tpu.core_type<tc>, window_params = [{transform_indices = @transform_0, window_bounds = array<i64: 1, 15>}, {transform_indices = @transform_1, window_bounds = array<i64: 256, 4096>}, {transform_indices = @transform_2, window_bounds = array<i64: 256, 4096>}]} {
    %get3A = arith.constant 0 : index
    %get3A_0 = arith.constant 0 : index
    %get3A_1 = vector.load %arg2[%get3A, %get3A_0] : memref<256x4096xf32, #tpu.memory_space<vmem>>, vector<256x4096xf32>
    %get3A_2 = arith.constant 0 : index
    %get3A_3 = arith.constant 0 : index
    %get3A_4 = memref.load %arg1[%get3A_2, %get3A_3] : memref<1x15xf32, #tpu.memory_space<smem>>
    %get3A_5 = arith.constant 0 : index
    %get3A_6 = arith.constant 1 : index
    %get3A_7 = memref.load %arg1[%get3A_5, %get3A_6] : memref<1x15xf32, #tpu.memory_space<smem>>
    %get3A_8 = arith.constant 0 : index
    %get3A_9 = arith.constant 2 : index
    %get3A_10 = memref.load %arg1[%get3A_8, %get3A_9] : memref<1x15xf32, #tpu.memory_space<smem>>
    %get3A_11 = arith.constant 0 : index
    %get3A_12 = arith.constant 3 : index
    %get3A_13 = memref.load %arg1[%get3A_11, %get3A_12] : memref<1x15xf32, #tpu.memory_space<smem>>
    %get3A_14 = arith.constant 0 : index
    %get3A_15 = arith.constant 4 : index
    %get3A_16 = memref.load %arg1[%get3A_14, %get3A_15] : memref<1x15xf32, #tpu.memory_space<smem>>
    %get3A_17 = arith.constant 0 : index
    %get3A_18 = arith.constant 5 : index
    %get3A_19 = memref.load %arg1[%get3A_17, %get3A_18] : memref<1x15xf32, #tpu.memory_space<smem>>
    %get3A_20 = arith.constant 0 : index
    %get3A_21 = arith.constant 6 : index
    %get3A_22 = memref.load %arg1[%get3A_20, %get3A_21] : memref<1x15xf32, #tpu.memory_space<smem>>
    %get3A_23 = arith.constant 0 : index
    %get3A_24 = arith.constant 7 : index
    %get3A_25 = memref.load %arg1[%get3A_23, %get3A_24] : memref<1x15xf32, #tpu.memory_space<smem>>
    %get3A_26 = arith.constant 0 : index
    %get3A_27 = arith.constant 8 : index
    %get3A_28 = memref.load %arg1[%get3A_26, %get3A_27] : memref<1x15xf32, #tpu.memory_space<smem>>
    %get3A_29 = arith.constant 0 : index
    %get3A_30 = arith.constant 9 : index
    %get3A_31 = memref.load %arg1[%get3A_29, %get3A_30] : memref<1x15xf32, #tpu.memory_space<smem>>
    %get3A_32 = arith.constant 0 : index
    %get3A_33 = arith.constant 10 : index
    %get3A_34 = memref.load %arg1[%get3A_32, %get3A_33] : memref<1x15xf32, #tpu.memory_space<smem>>
    %get3A_35 = arith.constant 0 : index
    %get3A_36 = arith.constant 11 : index
    %get3A_37 = memref.load %arg1[%get3A_35, %get3A_36] : memref<1x15xf32, #tpu.memory_space<smem>>
    %get3A_38 = arith.constant 0 : index
    %get3A_39 = arith.constant 12 : index
    %get3A_40 = memref.load %arg1[%get3A_38, %get3A_39] : memref<1x15xf32, #tpu.memory_space<smem>>
    %get3A_41 = arith.constant 0 : index
    %get3A_42 = arith.constant 13 : index
    %get3A_43 = memref.load %arg1[%get3A_41, %get3A_42] : memref<1x15xf32, #tpu.memory_space<smem>>
    %get3A_44 = arith.constant 0 : index
    %get3A_45 = arith.constant 14 : index
    %get3A_46 = memref.load %arg1[%get3A_44, %get3A_45] : memref<1x15xf32, #tpu.memory_space<smem>>
    %gt3A = vector.broadcast %get3A_25 : f32 to vector<256x4096xf32>
    %gt3A_47 = arith.cmpf ogt, %get3A_1, %gt3A : vector<256x4096xf32>
    %broadcast_in_dim3A = vector.broadcast %get3A_37 : f32 to vector<256x4096xf32>
    %broadcast_in_dim3A_48 = vector.broadcast %get3A_13 : f32 to vector<256x4096xf32>
    %select_n3A = arith.select %gt3A_47, %broadcast_in_dim3A, %broadcast_in_dim3A_48 : vector<256x4096xi1>, vector<256x4096xf32>
    %gt3A_49 = arith.cmpf ogt, %get3A_1, %select_n3A : vector<256x4096xf32>
    %broadcast_in_dim3A_50 = vector.broadcast %get3A_43 : f32 to vector<256x4096xf32>
    %broadcast_in_dim3A_51 = vector.broadcast %get3A_19 : f32 to vector<256x4096xf32>
    %select_n3A_52 = arith.select %gt3A_47, %broadcast_in_dim3A_50, %broadcast_in_dim3A_51 : vector<256x4096xi1>, vector<256x4096xf32>
    %broadcast_in_dim3A_53 = vector.broadcast %get3A_31 : f32 to vector<256x4096xf32>
    %broadcast_in_dim3A_54 = vector.broadcast %get3A_7 : f32 to vector<256x4096xf32>
    %select_n3A_55 = arith.select %gt3A_47, %broadcast_in_dim3A_53, %broadcast_in_dim3A_54 : vector<256x4096xi1>, vector<256x4096xf32>
    %select_n3A_56 = arith.select %gt3A_49, %select_n3A_52, %select_n3A_55 : vector<256x4096xi1>, vector<256x4096xf32>
    %gt3A_57 = arith.cmpf ogt, %get3A_1, %select_n3A_56 : vector<256x4096xf32>
    %broadcast_in_dim3A_58 = vector.broadcast %get3A_46 : f32 to vector<256x4096xf32>
    %broadcast_in_dim3A_59 = vector.broadcast %get3A_22 : f32 to vector<256x4096xf32>
    %select_n3A_60 = arith.select %gt3A_47, %broadcast_in_dim3A_58, %broadcast_in_dim3A_59 : vector<256x4096xi1>, vector<256x4096xf32>
    %broadcast_in_dim3A_61 = vector.broadcast %get3A_34 : f32 to vector<256x4096xf32>
    %broadcast_in_dim3A_62 = vector.broadcast %get3A_10 : f32 to vector<256x4096xf32>
    %select_n3A_63 = arith.select %gt3A_47, %broadcast_in_dim3A_61, %broadcast_in_dim3A_62 : vector<256x4096xi1>, vector<256x4096xf32>
    %select_n3A_64 = arith.select %gt3A_49, %select_n3A_60, %select_n3A_63 : vector<256x4096xi1>, vector<256x4096xf32>
    %broadcast_in_dim3A_65 = vector.broadcast %get3A_40 : f32 to vector<256x4096xf32>
    %broadcast_in_dim3A_66 = vector.broadcast %get3A_16 : f32 to vector<256x4096xf32>
    %select_n3A_67 = arith.select %gt3A_47, %broadcast_in_dim3A_65, %broadcast_in_dim3A_66 : vector<256x4096xi1>, vector<256x4096xf32>
    %broadcast_in_dim3A_68 = vector.broadcast %get3A_28 : f32 to vector<256x4096xf32>
    %broadcast_in_dim3A_69 = vector.broadcast %get3A_4 : f32 to vector<256x4096xf32>
    %select_n3A_70 = arith.select %gt3A_47, %broadcast_in_dim3A_68, %broadcast_in_dim3A_69 : vector<256x4096xi1>, vector<256x4096xf32>
    %select_n3A_71 = arith.select %gt3A_49, %select_n3A_67, %select_n3A_70 : vector<256x4096xi1>, vector<256x4096xf32>
    %select_n3A_72 = arith.select %gt3A_57, %select_n3A_64, %select_n3A_71 : vector<256x4096xi1>, vector<256x4096xf32>
    %gt3A_73 = arith.cmpf ogt, %get3A_1, %select_n3A_72 : vector<256x4096xf32>
    %jit3A = arith.constant 0.000000e+00 : f32
    %jit3A_74 = arith.constant -8.000000e+00 : f32
    %broadcast_in_dim3A_75 = vector.broadcast %jit3A : f32 to vector<256x4096xf32>
    %broadcast_in_dim3A_76 = vector.broadcast %jit3A_74 : f32 to vector<256x4096xf32>
    %select_n3A_77 = arith.select %gt3A_47, %broadcast_in_dim3A_75, %broadcast_in_dim3A_76 : vector<256x4096xi1>, vector<256x4096xf32>
    %jit3A_78 = arith.constant 4.000000e+00 : f32
    %jit3A_79 = arith.constant 0.000000e+00 : f32
    %broadcast_in_dim3A_80 = vector.broadcast %jit3A_78 : f32 to vector<256x4096xf32>
    %broadcast_in_dim3A_81 = vector.broadcast %jit3A_79 : f32 to vector<256x4096xf32>
    %select_n3A_82 = arith.select %gt3A_49, %broadcast_in_dim3A_80, %broadcast_in_dim3A_81 : vector<256x4096xi1>, vector<256x4096xf32>
    %add3A = arith.addf %select_n3A_77, %select_n3A_82 : vector<256x4096xf32>
    %jit3A_83 = arith.constant 2.000000e+00 : f32
    %jit3A_84 = arith.constant 0.000000e+00 : f32
    %broadcast_in_dim3A_85 = vector.broadcast %jit3A_83 : f32 to vector<256x4096xf32>
    %broadcast_in_dim3A_86 = vector.broadcast %jit3A_84 : f32 to vector<256x4096xf32>
    %select_n3A_87 = arith.select %gt3A_57, %broadcast_in_dim3A_85, %broadcast_in_dim3A_86 : vector<256x4096xi1>, vector<256x4096xf32>
    %add3A_88 = arith.addf %add3A, %select_n3A_87 : vector<256x4096xf32>
    %jit3A_89 = arith.constant 1.000000e+00 : f32
    %jit3A_90 = arith.constant 0.000000e+00 : f32
    %broadcast_in_dim3A_91 = vector.broadcast %jit3A_89 : f32 to vector<256x4096xf32>
    %broadcast_in_dim3A_92 = vector.broadcast %jit3A_90 : f32 to vector<256x4096xf32>
    %select_n3A_93 = arith.select %gt3A_73, %broadcast_in_dim3A_91, %broadcast_in_dim3A_92 : vector<256x4096xi1>, vector<256x4096xf32>
    %add3A_94 = arith.addf %add3A_88, %select_n3A_93 : vector<256x4096xf32>
    %swap3A = arith.constant 0 : index
    %swap3A_95 = arith.constant 0 : index
    %swap3A_96 = vector.load %arg3[%swap3A, %swap3A_95] : memref<256x4096xf32, #tpu.memory_space<vmem>>, vector<256x4096xf32>
    tpu.vector_store %arg3[%swap3A, %swap3A_95], %add3A_94 {strides = array<i32>} : memref<256x4096xf32, #tpu.memory_space<vmem>>, vector<256x4096xf32>,
    return
  }
  func.func @transform_0(%arg0: i32) -> (i32, i32) {
    %c0_i32 = arith.constant 0 : i32
    %c0_i32_0 = arith.constant 0 : i32
    %c0_i32_1 = arith.constant 0 : i32
    return %c0_i32, %c0_i32_0 : i32, i32
  }
  func.func @transform_1(%arg0: i32) -> (i32, i32) {
    %add3A = arith.constant 1 : i32
    %add3A_0 = arith.addi %add3A, %arg0 : i32
    %c0_i32 = arith.constant 0 : i32
    %c0_i32_1 = arith.constant 0 : i32
    return %add3A_0, %c0_i32 : i32, i32
  }
  func.func @transform_2(%arg0: i32) -> (i32, i32) {
    %add3A = arith.constant 1 : i32
    %add3A_0 = arith.addi %add3A, %arg0 : i32
    %c0_i32 = arith.constant 0 : i32
    %c0_i32_1 = arith.constant 0 : i32
    return %add3A_0, %c0_i32 : i32, i32
  }
}

</mosaic_0001>

<sc_bundles>
// kernel: kernel.4.cloned.1.call-start
scs
__scs_entry_jumppad:
0x0: {  	(pc) =	sbr.rel $0x88, $3  }
0x1: {  	(tag) =	ssettag $0x0;
	lr =	simm.s32 $0x1  }
0x2: {  	[smem:$0x3F9F] =	sst lr;
	_ =	strace $0xD0000000  }
0x3: {  	_ = 	snop  }
0x4: {  	_ = 	snop  }
0x5: {  	_ = 	snop  }
0x6: {  	_ = 	snop  }
0x7: {  	_ = 	snop  }
__scs_overlays_trampoline_lowered:
0x8: {  	[smem:$0x3FAE] =	sst s0  }
0x9: {  	[smem:$0x3FAF] =	sst s1  }
0xa: {  	[smem:$0x3FB0] =	sst s2  }
0xb: {  	[smem:$0x3FB1] =	sst s3  }
0xc: {  	[smem:$0x3FB2] =	sst s4  }
0xd: {  	[smem:$0x3FB3] =	sst s5  }
0xe: {  	[smem:$0x3FB4] =	sst s6  }
0xf: {  	[smem:$0x3FB5] =	sst s7  }
0x10: {  	[smem:$0x3FB6] =	sst s8  }
0x11: {  	[smem:$0x3FB7] =	sst s9;
	s0 =	simm.s32 @!p0 $0x0  }
0x12: {  	s1 =	sld [smem:$0x3F9D];
	s0 =	simm.s32 @p0 $0x1  }
0x13: {  	[smem:$0x3FB8] =	sst s0;
	s0 =	simm.s32 @!p1 $0x0  }
0x14: {  	s2 =	sld [smem:$0x3F9C];
	s0 =	simm.s32 @p1 $0x1  }
0x15: {  	[smem:$0x3FB9] =	sst s0;
	s0 =	simm.s32 @!p2 $0x0  }
0x16: {  	s3 =	sld [smem:$0x3FDB];
	s0 =	simm.s32 @p2 $0x1  }
0x17: {  	s4 =	simm.s32 $0x1BF5;
	[smem:$0x3FBB] =	sst s0  }
0x18: {  	s0 =	sld [smem:$0x3F9E];
	_ =	swait.ge [sflag:s4], $0x0  }
0x19: {  	s7 =	sld [smem:$0x3F9F]  }
0x1a: {  	s8 =	sadd.s32 $0xFFFFE003, lr  }
0x1b: {  	s9 =	sadd.s32 $0xFFFFFEF7, lr;
	s5 =	simm.s32 $0xFFFFFFFF;
	p2 =	slt.u32 s8, $0xFFFFF086  }
0x1c: {  	p1 =	slt.u32 s9, $0xF7A;
	s5 =	simm.s32 @!p2 $0x0  }
0x1d: {  	s5 =	simm.s32 @p1 $0x1;
	p0 =	seq.s32 s7, s2  }
0x1e: {  	s7 =	smul.u32 @!p0 $0xF7A, s2;
	p2 =	seq.s32 @!p0 s5, $0x0  }
0x1f: {  	s9 =	smul.u32 $0xF7A, s1;
	s8 =	simm.s32 @!p0 $0x1BF5;
	p2 =	por !p2, p0  }
0x20: {  	[sflag:s8] =	ssyncset.s32 @!p0 $0xFFFFF086;
	s6 =	sadd.s32 @!p0 s3, s7;
	s7 =	simm.s32 @!p0 $0x108  }
0x21: {  	s3 =	sadd.s32 s3, s9;
	s6 =	sadd.s32 @!p0 $0x88, s6;
	s7 =	simm.s32 @p2 $0x1082  }
0x22: {  	[simem:s7], [sflag:s8] =	dma.local @!p0 [hbm:s6], $0xF7A  }
0x23: {  	s9 =	sor.u32 $0xD0000000, s2;
	s6 =	simm.s32 $0x108;
	_ =	swait.ge @!p0 [sflag:s8], $0x0  }
0x24: {  	s3 =	sadd.s32 $0x88, s3;
	s6 =	simm.s32 @!p1 $0x1082;
	[sflag:s4] =	ssyncset.s32 $0xFFFFF086  }
0x25: {  	[simem:s6], [sflag:s4] =	dma.local [hbm:s3], $0xF7A  }
0x26: {  	[smem:$0x3F9F] =	sst s1;
	(tag) =	ssettag s2;
	_ =	strace s9  }
0x27: {  	s1 =	sld [smem:$0x3FAF]  }
0x28: {  	s2 =	sld [smem:$0x3FB0]  }
0x29: {  	s4 =	sld [smem:$0x3FB2]  }
0x2a: {  	p0 =	seq.s32 s5, $0x0;
	s5 =	sld [smem:$0x3FB3]  }
0x2b: {  	s6 =	sld [smem:$0x3FB4]  }
0x2c: {  	s7 =	sld [smem:$0x3FB5]  }
0x2d: {  	s3 =	simm.s32 $0x108;
	s8 =	sld [smem:$0x3FB6]  }
0x2e: {  	s3 =	simm.s32 @!p0 $0x1082;
	s9 =	sld [smem:$0x3FB7]  }
0x2f: {  	lr =	sadd.s32 s0, s3;
	s0 =	sld [smem:$0x3FAE]  }
0x30: {  	s3 =	sld [smem:$0x3FB1]  }
0x31: {  	[smem:$0x3FBA] =	sst s10  }
0x32: {  	s10 =	sld [smem:$0x3FB8];
	_ =	sdelay $0x3  }
0x33: {  	p0 =	seq.s32 s10, $0x1;
	s10 =	sld [smem:$0x3FBA];
	_ =	sdelay $0x3  }
0x34: {  	[smem:$0x3FBA] =	sst s10  }
0x35: {  	s10 =	sld [smem:$0x3FB9];
	_ =	sdelay $0x3  }
0x36: {  	p1 =	seq.s32 s10, $0x1;
	s10 =	sld [smem:$0x3FBA];
	_ =	sdelay $0x3  }
0x37: {  	[smem:$0x3FBA] =	sst s10  }
0x38: {  	s10 =	sld [smem:$0x3FBB]  }
0x39: {  	_ = 	snop;
	(pc) =	sbr.ind lr, $3  }
0x3a: {  	_ = 	snop  }
0x3b: {  	_ = 	snop  }
0x3c: {  	p2 =	seq.s32 s10, $0x1;
	s10 =	sld [smem:$0x3FBA]  }
0x3d: {  	_ =	shalt  }
0x3e: {  	_ =	shalt  }
0x3f: {  	_ =	shalt  }
0x40: {  	_ =	shalt  }
0x41: {  	_ =	shalt  }
0x42: {  	_ =	shalt  }
0x43: {  	_ =	shalt  }
0x44: {  	_ =	shalt  }
0x45: {  	_ =	shalt  }
0x46: {  	_ =	shalt  }
0x47: {  	_ =	shalt  }
0x48: {  	_ =	shalt  }
0x49: {  	_ =	shalt  }
0x4a: {  	_ =	shalt  }
0x4b: {  	_ =	shalt  }
0x4c: {  	_ =	shalt  }
0x4d: {  	_ =	shalt  }
0x4e: {  	_ =	shalt  }
0x4f: {  	_ =	shalt  }
0x50: {  	_ =	shalt  }
0x51: {  	_ =	shalt  }
0x52: {  	_ =	shalt  }
0x53: {  	_ =	shalt  }
0x54: {  	_ =	shalt  }
0x55: {  	_ =	shalt  }
0x56: {  	_ =	shalt  }
0x57: {  	_ =	shalt  }
0x58: {  	_ =	shalt  }
0x59: {  	_ =	shalt  }
0x5a: {  	_ =	shalt  }
0x5b: {  	_ =	shalt  }
0x5c: {  	_ =	shalt  }
0x5d: {  	_ =	shalt  }
0x5e: {  	_ =	shalt  }
0x5f: {  	_ =	shalt  }
0x60: {  	_ =	shalt  }
0x61: {  	_ =	shalt  }
0x62: {  	_ =	shalt  }
0x63: {  	_ =	shalt  }
0x64: {  	_ =	shalt  }
0x65: {  	_ =	shalt  }
0x66: {  	_ =	shalt  }
0x67: {  	_ =	shalt  }
0x68: {  	_ =	shalt  }
0x69: {  	_ =	shalt  }
0x6a: {  	_ =	shalt  }
0x6b: {  	_ =	shalt  }
0x6c: {  	_ =	shalt  }
0x6d: {  	_ =	shalt  }
0x6e: {  	_ =	shalt  }
0x6f: {  	_ =	shalt  }
0x70: {  	_ =	shalt  }
0x71: {  	_ =	shalt  }
0x72: {  	_ =	shalt  }
0x73: {  	_ =	shalt  }
0x74: {  	_ =	shalt  }
0x75: {  	_ =	shalt  }
0x76: {  	_ =	shalt  }
0x77: {  	_ =	shalt  }
0x78: {  	_ =	shalt  }
0x79: {  	_ =	shalt  }
0x7a: {  	_ =	shalt  }
0x7b: {  	_ =	shalt  }
0x7c: {  	_ =	shalt  }
0x7d: {  	_ =	shalt  }
0x7e: {  	_ =	shalt  }
0x7f: {  	_ =	shalt  }
0x80: {  	_ =	shalt  }
0x81: {  	_ =	shalt  }
0x82: {  	_ =	shalt  }
0x83: {  	_ =	shalt  }
0x84: {  	_ =	shalt  }
0x85: {  	_ =	shalt  }
0x86: {  	_ =	shalt  }
0x87: {  	_ =	shalt  }
.Lfunc_end0:
.L_simem_size_0:
called_computation_lowered:
.L_overlay_start_0:
0x88: {  	s2 =	sld [smem:$0x3FD9]  }
0x89: {  	s3 =	sld [smem:$0x3FFE];
	_ =	sdelay $0x1  }
0x8a: {  	s1 =	srdreg.scid  }
0x8b: {  	s0 =	sand.u32 $0x1, s1  }
0x8c: {  	s17 =	sshll.u32 s0, $0xA;
	s2 =	sadd.s32 s3, s2  }
0x8d: {  	s2 =	sadd.s32 s2, s17  }
0x8e: {  	[smem:$0x3FC6] =	sst s2  }
0x8f: {  	_ = 	snop  }
0x90: {  	s2 =	sld [smem:$0x3FC9];
	(tm) =	ssettm $0x1  }
0x91: {  	s18 =	sld [smem:$0x3FFB];
	_ =	sdelay $0x3  }
0x92: {  	_ =	strace s18  }
0x93: {  	s3 =	sld [smem:$0x3FFC];
	_ =	sdelay $0x3  }
0x94: {  	_ =	strace s3  }
0x95: {  	s3 =	sld [smem:$0x3FFD];
	_ =	sdelay $0x3  }
0x96: {  	_ =	strace s3  }
0x97: {  	_ =	strace $0x8FFFFFFF  }
0x98: {  	s19 =	sld [smem:$0x3FDB];
	_ =	sdelay $0x1  }
0x99: {  	s4 =	simm.s32 $_scs_section_size  }
0x9a: {  	s5 =	simm.s32 $_size__tile_overlayer_lowered;
	s6 =	simm.s32 $_tile_overlayer_lowered  }
0x9b: {  	s22 =	simm.s32 $0x1BFF;
	s21 =	sshll.u32 s6, $0x1;
	s3 =	sadd.s32 s4, s19  }
0x9c: {  	s7 =	simm.s32 $0x0;
	s20 =	sshll.u32 s5, $0x1;
	s5 =	sadd.s32 s21, s3  }
0x9d: {  	[timem:s7], [sflag:s22] =	dma.local [hbm:s5], s20  }
0x9e: {  	_ =	swait.ge [sflag:s22], s20  }
0x9f: {  	s4 =	ssub.s32 $0x0, s20;
	[sflag:s22] =	ssyncset.done $0x0  }
0xa0: {  	[sflag:s22] =	ssyncadd.s32 s4;
	_ =	sdelay $0x1  }
0xa1: {  	s23 =	simm.s32 $0x1B8B  }
0xa2: {  	_ =	swait.ge [sflag:s23], $0x1  }
0xa3: {  	[sflag:s23] =	ssyncset.done $0x0  }
0xa4: {  	s25 =	simm.s32 $0x1B8E;
	s24 =	sld [smem:$0x3FFE];
	[sflag:s23] =	ssyncadd.s32 $0xFFFFFFFF  }
0xa5: {  	s26 =	simm.s32 $execute0_lowered;
	[smem:$0x3FD2] =	sst s25  }
0xa6: {  	s5 =	sshll.u32 s26, $0x1;
	_ =	strace $0x80000046;
	[dreg:$0x1] =	wrdreg $0xFFFFFFFF  }
0xa7: {  	s28 =	simm.s32 $_size_execute0_lowered;
	s3 =	sadd.s32 s3, s5;
	[dreg:$0x0] =	wrdreg $0x0  }
0xa8: {  	s5 =	sshll.u32 s28, $0x1;
	[dreg:$0x2] =	wrdreg s3  }
0xa9: {  	[dreg:$0x3] =	wrdreg s5  }
0xaa: {  	[dreg:$0x4] =	wrdreg $0xC0  }
0xab: {  	_ =	task [dreg:s7], $0x5FFFF  }
0xac: {  	[dreg:$0x1] =	wrdreg $0xFFFFFFFF  }
0xad: {  	[dreg:$0x0] =	wrdreg $0x60  }
0xae: {  	[dreg:$0x2] =	wrdreg s2  }
0xaf: {  	[dreg:$0x3] =	wrdreg s24  }
0xb0: {  	[dreg:$0x4] =	wrdreg $0x9  }
0xb1: {  	_ =	task.clear_ibuf [dreg:s7], $0x5FFFF;
	_ =	strace $0x90000046  }
0xb2: {  	s29 =	simm.s32 $0x9;
	_ =	strace $0x80000048  }
0xb3: {  	_ =	swait.ge [sflag:s29], $0x1  }
0xb4: {  	[sflag:s29] =	ssyncadd.s32 $0xFFFFFFFF  }
0xb5: {  	_ =	strace $0x90000048  }
0xb6: {  	_ =	sfence  }
0xb7: {  	s30 =	sld [smem:$0x0];
	_ =	sdelay $0x2  }
0xb8: {  	s31 =	sshll.u32 s1, $0xD;
	s1 =	sshrl.u32 s1, $0x2  }
0xb9: {  	s3 =	sand.u32 $0x4000, s31;
	s1 =	sadd.s32 s1, s30  }
0xba: {  	s0 =	sor.u32 s3, s0;
	s1 =	sshll.u32 s1, $0x11  }
0xbb: {  	s0 =	sor.u32 s1, s0  }
0xbc: {  	s0 =	sadd.s32 $0x8F2B, s0  }
0xbd: {  	[sflag:s0] =	ssyncadd.remote.s32 $0x1  }
0xbe: {  	_ =	sfence.sel $0xFFFF  }
0xbf: {  	[dreg:$0x0] =	wrdreg $0xFFFFFFFF;
	(pc) =	sbr.abs _section_cstart, $3  }
0xc0: {  	[dreg:$0x1] =	wrdreg $0xFFFFFFFF  }
0xc1: {  	_ =	task.clear_ibuf [dreg:s7], $0x2FFFF;
	_ =	strace $0x9FFFFFFF  }
0xc2: {  	(tm) =	ssettm $0x7FFFFFFF  }
0xc3: {  	_ =	shalt  }
tec
execute0_lowered:
.L_overlay_start_1:
0x0: {  	(tag) =	ssettag $0x1  }
0x1: {  	s0 =	rddreg [dreg:$0x0]  }
0x2: {  	s1 =	rddreg [dreg:$0x1]  }
0x3: {  	s3 =	srdreg.scid;
	s2 =	simm.s32 $0x0;
	s4 =	stileid.u32  }
0x4: {  	s7 =	simm.s32 $0x3;
	s9 =	simm.s32 $0x1;
	s10 =	simm.s32 $0x2  }
0x5: {  	s11 =	simm.s32 $0x0;
	s3 =	sand.u32 $0x1, s3;
	[smem:$0x7FF] =	sst s2  }
0x6: {  	s4 =	sshll.u32 s4, $0xD;
	s30 =	sadd.s32 $0x600, s1;
	s5 =	sshll.u32 s3, $0xC  }
0x7: {  	_ =	strace $0x80000047;
	s3 =	ssub.s32 $0x2, s3;
	s4 =	sor.u32 s5, s4  }
0x8: {  	[dreg:$0x3] =	wrdreg s30;
	s31 =	sshrl.u32 s3, $0x1;
	s0 =	sadd.s32 s0, s4  }
0x9: {  	s1 =	sadd.s32 s4, s1;
	s3 =	ssub.s32 s3, s31;
	[dreg:$0x4] =	wrdreg s0  }
0xa: {  	v1 =	vimm.s32 $0x0;
	s5 =	sadd.s32 $0x800, s1;
	s6 =	smax.u32 s3, $0x1;
	s1 =	simm.s32 $0x80  }
.LBB2_1:
0xb: {  	s0 =	rddreg [dreg:$0x3];
	v0 =	vimm.s32 $0x7  }
0xc: {  	[tilespmem:s2], [sflag:$0x3] =	stream.linear.gather [hbm4b:s0+s2], $0x80, $0x38;
	[tilespmem:$0x8080] =	vst v63  }
0xd: {  	_ =	swait.ge [sflag:s7], $0x80  }
0xe: {  	[sflag:s7] =	ssyncset.done $0x0  }
0xf: {  	s22 =	rddreg [dreg:$0x4];
	[sflag:s7] =	ssyncadd.s32 $0xFFFFFF80  }
0x10: {  	v3 =	vld.idx.msk [tilespmem:v0+s2+$0x0], $0xffff;
	[tilespmem:s1], [sflag:$0x1] =	stream.linear.gather [hbm4b:s22+s2], $0x8000, $0x38  }
0x11: {  	s23 =	simm.s32 $0x0;
	_ =	swait.ge [sflag:s9], $0x8000  }
0x12: {  	s24 =	sand.u32 $0x7C00, s2;
	s0 =	sand.u32 $0x60, s23;
	[sflag:s9] =	ssyncset.done $0x0  }
0x13: {  	s17 =	sor.u32 s0, s24;
	[sflag:s9] =	ssyncadd.s32 $0xFFFF8000  }
0x14: {  	v4 =	vld [tilespmem:s17+$0x90];
	_ =	sdelay $0x4  }
0x15: {  	vm0 =	vgt.f32 v4, v3  }
0x16: {  	v5 =	vsel vm0, $0x8, v1  }
0x17: {  	v6 =	vor.u32 $0x3, v5;
	_ =	sdelay $0x4  }
0x18: {  	v6 =	vld.idx.msk [tilespmem:v6+s2+$0x0], $0xffff;
	_ =	sdelay $0x4  }
0x19: {  	vm0 =	vgt.f32 v4, v6  }
0x1a: {  	v6 =	vsel vm0, $0x4, v1  }
0x1b: {  	v5 =	vor.u32 v5, v6  }
0x1c: {  	v6 =	vor.u32 $0x1, v5;
	_ =	sdelay $0x4  }
0x1d: {  	v6 =	vld.idx.msk [tilespmem:v6+s2+$0x0], $0xffff;
	_ =	sdelay $0x4  }
0x1e: {  	vm0 =	vgt.f32 v4, v6  }
0x1f: {  	v6 =	vsel vm0, $0x2, v1  }
0x20: {  	v5 =	vor.u32 v6, v5;
	_ =	sdelay $0x3  }
0x21: {  	v6 =	vld [tilespmem:s17+$0x110]  }
0x22: {  	v7 =	vld.idx.msk [tilespmem:v5+s2+$0x0], $0xffff;
	_ =	sdelay $0x3  }
0x23: {  	vm0 =	vgt.f32 v6, v3  }
0x24: {  	v0 =	vimm.s32 $0xFFFFFFF8;
	vm1 =	vgt.f32 v4, v7;
	v4 =	vsel vm0, $0x8, v1  }
0x25: {  	v7 =	vsel vm1, $0xFFFFFFF9, v0;
	v8 =	vor.u32 $0x3, v4  }
0x26: {  	v5 =	vadd.s32 v5, v7  }
0x27: {  	v5 =	vcvt.s32.f32 v5;
	_ =	sdelay $0x1  }
0x28: {  	[tilespmem:s17+$0x90] =	vst v5  }
0x29: {  	v5 =	vld.idx.msk [tilespmem:v8+s2+$0x0], $0xffff;
	_ =	sdelay $0x4  }
0x2a: {  	vm0 =	vgt.f32 v6, v5  }
0x2b: {  	v5 =	vsel vm0, $0x4, v1  }
0x2c: {  	v4 =	vor.u32 v4, v5  }
0x2d: {  	v5 =	vor.u32 $0x1, v4  }
0x2e: {  	v7 =	vld [tilespmem:s17+$0x80];
	_ =	sdelay $0x3  }
0x2f: {  	s25 =	simm.s32 $0x20;
	s26 =	simm.s32 $0x100;
	v5 =	vld.idx.msk [tilespmem:v5+s2+$0x0], $0xffff  }
0x30: {  	s0 =	sand.u32 $0x60, s25;
	s1 =	sand.u32 $0x7C00, s26;
	vm0 =	vgt.f32 v7, v3  }
0x31: {  	s15 =	sor.u32 s0, s1;
	v8 =	vsel vm0, $0x8, v1  }
0x32: {  	v10 =	vld [tilespmem:s15+$0x90];
	v9 =	vor.u32 $0x3, v8;
	_ =	sdelay $0x1  }
0x33: {  	vm0 =	vgt.f32 v6, v5  }
0x34: {  	v5 =	vsel vm0, $0x2, v1  }
0x35: {  	v4 =	vor.u32 v5, v4  }
0x36: {  	vm0 =	vgt.f32 v10, v3;
	v5 =	vld.idx.msk [tilespmem:v9+s2+$0x0], $0xffff  }
0x37: {  	v9 =	vsel vm0, $0x8, v1  }
0x38: {  	v11 =	vor.u32 $0x3, v9  }
0x39: {  	v12 =	vld [tilespmem:s17+$0x190]  }
0x3a: {  	v13 =	vld.idx.msk [tilespmem:v4+s2+$0x0], $0xffff  }
0x3b: {  	vm0 =	vgt.f32 v7, v5  }
0x3c: {  	v5 =	vsel vm0, $0x4, v1  }
0x3d: {  	v5 =	vor.u32 v8, v5;
	v8 =	vld.idx.msk [tilespmem:v11+s2+$0x0], $0xffff  }
0x3e: {  	vm0 =	vgt.f32 v12, v3;
	v11 =	vor.u32 $0x1, v5  }
0x3f: {  	vm1 =	vgt.f32 v6, v13;
	v6 =	vsel vm0, $0x8, v1  }
0x40: {  	v13 =	vsel vm1, $0xFFFFFFF9, v0;
	v14 =	vor.u32 $0x3, v6  }
0x41: {  	v4 =	vadd.s32 v4, v13  }
0x42: {  	vm0 =	vgt.f32 v10, v8;
	v4 =	vcvt.s32.f32 v4  }
0x43: {  	v8 =	vld.idx.msk [tilespmem:v11+s2+$0x0], $0xffff;
	v11 =	vsel vm0, $0x4, v1  }
0x44: {  	[tilespmem:s17+$0x110] =	vst v4;
	v4 =	vor.u32 v9, v11  }
0x45: {  	v9 =	vld.idx.msk [tilespmem:v14+s2+$0x0], $0xffff;
	v11 =	vor.u32 $0x1, v4;
	_ =	sdelay $0x2  }
0x46: {  	vm0 =	vgt.f32 v7, v8  }
0x47: {  	v8 =	vsel vm0, $0x2, v1  }
0x48: {  	v5 =	vor.u32 v8, v5;
	vm0 =	vgt.f32 v12, v9;
	v8 =	vld.idx.msk [tilespmem:v11+s2+$0x0], $0xffff  }
0x49: {  	v9 =	vsel vm0, $0x4, v1  }
0x4a: {  	v6 =	vor.u32 v6, v9  }
0x4b: {  	v9 =	vor.u32 $0x1, v6  }
0x4c: {  	v11 =	vld [tilespmem:s17+$0x100]  }
0x4d: {  	v13 =	vld.idx.msk [tilespmem:v5+s2+$0x0], $0xffff;
	vm0 =	vgt.f32 v10, v8  }
0x4e: {  	v8 =	vsel vm0, $0x2, v1  }
0x4f: {  	v4 =	vor.u32 v8, v4  }
0x50: {  	v8 =	vld.idx.msk [tilespmem:v9+s2+$0x0], $0xffff  }
0x51: {  	vm0 =	vgt.f32 v11, v3;
	v9 =	vld [tilespmem:s15+$0x80]  }
0x52: {  	v14 =	vsel vm0, $0x8, v1;
	vm0 =	vgt.f32 v7, v13  }
0x53: {  	v15 =	vld [tilespmem:s15+$0x110];
	v7 =	vor.u32 $0x3, v14;
	v13 =	vsel vm0, $0xFFFFFFF9, v0  }
0x54: {  	v5 =	vadd.s32 v5, v13;
	v13 =	vld.idx.msk [tilespmem:v4+s2+$0x0], $0xffff  }
0x55: {  	v5 =	vcvt.s32.f32 v5;
	vm0 =	vgt.f32 v12, v8  }
0x56: {  	vm1 =	vgt.f32 v9, v3;
	v8 =	vsel vm0, $0x2, v1  }
0x57: {  	[tilespmem:s17+$0x80] =	vst v5;
	v5 =	vsel vm1, $0x8, v1;
	v6 =	vor.u32 v8, v6  }
0x58: {  	vm0 =	vgt.f32 v15, v3;
	v7 =	vld.idx.msk [tilespmem:v7+s2+$0x0], $0xffff;
	v8 =	vor.u32 $0x3, v5  }
0x59: {  	vm1 =	vgt.f32 v10, v13;
	v10 =	vsel vm0, $0x8, v1  }
0x5a: {  	v13 =	vsel vm1, $0xFFFFFFF9, v0;
	v16 =	vor.u32 $0x3, v10  }
0x5b: {  	v17 =	vld [tilespmem:s17+$0x210];
	v4 =	vadd.s32 v4, v13  }
0x5c: {  	v13 =	vld.idx.msk [tilespmem:v6+s2+$0x0], $0xffff;
	v4 =	vcvt.s32.f32 v4  }
0x5d: {  	vm0 =	vgt.f32 v11, v7;
	v7 =	vld.idx.msk [tilespmem:v8+s2+$0x0], $0xffff  }
0x5e: {  	v8 =	vsel vm0, $0x4, v1;
	[tilespmem:s15+$0x90] =	vst v4  }
0x5f: {  	v4 =	vor.u32 v14, v8;
	v8 =	vld.idx.msk [tilespmem:v16+s2+$0x0], $0xffff  }
0x60: {  	vm0 =	vgt.f32 v17, v3;
	v14 =	vor.u32 $0x1, v4  }
0x61: {  	vm1 =	vgt.f32 v12, v13;
	v12 =	vsel vm0, $0x8, v1  }
0x62: {  	vm0 =	vgt.f32 v9, v7;
	v7 =	vsel vm1, $0xFFFFFFF9, v0;
	v13 =	vor.u32 $0x3, v12  }
0x63: {  	v16 =	vsel vm0, $0x4, v1;
	v6 =	vadd.s32 v6, v7  }
0x64: {  	v5 =	vor.u32 v5, v16;
	v6 =	vcvt.s32.f32 v6;
	vm0 =	vgt.f32 v15, v8  }
0x65: {  	v7 =	vld.idx.msk [tilespmem:v14+s2+$0x0], $0xffff;
	v8 =	vor.u32 $0x1, v5;
	v14 =	vsel vm0, $0x4, v1  }
0x66: {  	[tilespmem:s17+$0x190] =	vst v6;
	v6 =	vor.u32 v10, v14  }
0x67: {  	v10 =	vld.idx.msk [tilespmem:v13+s2+$0x0], $0xffff;
	v13 =	vor.u32 $0x1, v6;
	_ =	sdelay $0x2  }
0x68: {  	vm0 =	vgt.f32 v11, v7;
	v7 =	vld.idx.msk [tilespmem:v8+s2+$0x0], $0xffff  }
0x69: {  	v8 =	vsel vm0, $0x2, v1  }
0x6a: {  	s3 =	simm.s32 $0x40;
	s4 =	simm.s32 $0x200;
	v4 =	vor.u32 v8, v4;
	vm0 =	vgt.f32 v17, v10;
	v8 =	vld.idx.msk [tilespmem:v13+s2+$0x0], $0xffff  }
0x6b: {  	s0 =	sand.u32 $0x60, s3;
	s1 =	sand.u32 $0x7C00, s4;
	v10 =	vsel vm0, $0x4, v1  }
0x6c: {  	s19 =	sor.u32 s0, s1;
	v10 =	vor.u32 v12, v10  }
0x6d: {  	vm0 =	vgt.f32 v9, v7;
	v12 =	vld [tilespmem:s19+$0x90];
	v7 =	vor.u32 $0x1, v10  }
0x6e: {  	v13 =	vld [tilespmem:s17+$0x180];
	v14 =	vsel vm0, $0x2, v1  }
0x6f: {  	v16 =	vld.idx.msk [tilespmem:v4+s2+$0x0], $0xffff;
	v5 =	vor.u32 v14, v5;
	vm0 =	vgt.f32 v15, v8  }
0x70: {  	v8 =	vsel vm0, $0x2, v1  }
0x71: {  	v6 =	vor.u32 v8, v6  }
0x72: {  	vm0 =	vgt.f32 v12, v3;
	v7 =	vld.idx.msk [tilespmem:v7+s2+$0x0], $0xffff  }
0x73: {  	vm1 =	vgt.f32 v13, v3;
	v8 =	vld [tilespmem:s15+$0x100];
	v14 =	vsel vm0, $0x8, v1  }
0x74: {  	v18 =	vsel vm1, $0x8, v1;
	vm0 =	vgt.f32 v11, v16;
	v11 =	vld.idx.msk [tilespmem:v5+s2+$0x0], $0xffff;
	v16 =	vor.u32 $0x3, v14  }
0x75: {  	v21 =	vld [tilespmem:s15+$0x190];
	v19 =	vor.u32 $0x3, v18;
	v20 =	vsel vm0, $0xFFFFFFF9, v0  }
0x76: {  	v4 =	vadd.s32 v4, v20;
	v20 =	vld.idx.msk [tilespmem:v6+s2+$0x0], $0xffff  }
0x77: {  	v4 =	vcvt.s32.f32 v4;
	vm0 =	vgt.f32 v17, v7  }
0x78: {  	vm1 =	vgt.f32 v8, v3;
	v7 =	vsel vm0, $0x2, v1  }
0x79: {  	v22 =	vsel vm1, $0x8, v1;
	[tilespmem:s17+$0x100] =	vst v4;
	vm0 =	vgt.f32 v9, v11;
	v4 =	vor.u32 v7, v10;
	v7 =	vld.idx.msk [tilespmem:v16+s2+$0x0], $0xffff  }
0x7a: {  	v9 =	vor.u32 $0x3, v22;
	v10 =	vld.idx.msk [tilespmem:v19+s2+$0x0], $0xffff;
	v11 =	vsel vm0, $0xFFFFFFF9, v0;
	vm0 =	vgt.f32 v21, v3  }
0x7b: {  	v5 =	vadd.s32 v5, v11;
	v11 =	vsel vm0, $0x8, v1;
	vm1 =	vgt.f32 v15, v20  }
0x7c: {  	v5 =	vcvt.s32.f32 v5;
	v16 =	vor.u32 $0x3, v11;
	v15 =	vsel vm1, $0xFFFFFFF9, v0  }
0x7d: {  	v19 =	vld [tilespmem:s17+$0x290];
	v6 =	vadd.s32 v6, v15  }
0x7e: {  	[tilespmem:s15+$0x80] =	vst v5;
	v15 =	vld.idx.msk [tilespmem:v4+s2+$0x0], $0xffff;
	v5 =	vcvt.s32.f32 v6;
	vm0 =	vgt.f32 v12, v7  }
0x7f: {  	vm1 =	vgt.f32 v13, v10;
	v6 =	vld.idx.msk [tilespmem:v9+s2+$0x0], $0xffff;
	v7 =	vsel vm0, $0x4, v1  }
0x80: {  	v9 =	vsel vm1, $0x4, v1;
	[tilespmem:s15+$0x110] =	vst v5;
	v7 =	vor.u32 v14, v7  }
0x81: {  	v9 =	vor.u32 v18, v9;
	v10 =	vld.idx.msk [tilespmem:v16+s2+$0x0], $0xffff;
	v14 =	vor.u32 $0x1, v7  }
0x82: {  	vm0 =	vgt.f32 v19, v3;
	v16 =	vor.u32 $0x1, v9  }
0x83: {  	v5 =	vld [tilespmem:s19+$0x80];
	vm1 =	vgt.f32 v17, v15;
	v15 =	vsel vm0, $0x8, v1  }
0x84: {  	vm0 =	vgt.f32 v8, v6;
	v6 =	vsel vm1, $0xFFFFFFF9, v0;
	v17 =	vor.u32 $0x3, v15  }
0x85: {  	v18 =	vsel vm0, $0x4, v1;
	v4 =	vadd.s32 v4, v6  }
0x86: {  	v6 =	vor.u32 v22, v18;
	v4 =	vcvt.s32.f32 v4;
	vm0 =	vgt.f32 v21, v10;
	v10 =	vld.idx.msk [tilespmem:v14+s2+$0x0], $0xffff  }
0x87: {  	v14 =	vld.idx.msk [tilespmem:v16+s2+$0x0], $0xffff;
	v16 =	vor.u32 $0x1, v6;
	v18 =	vsel vm0, $0x4, v1  }
0x88: {  	vm0 =	vgt.f32 v5, v3;
	[tilespmem:s17+$0x210] =	vst v4;
	v4 =	vor.u32 v11, v18  }
0x89: {  	v11 =	vsel vm0, $0x8, v1;
	v17 =	vld.idx.msk [tilespmem:v17+s2+$0x0], $0xffff;
	v18 =	vor.u32 $0x1, v4  }
0x8a: {  	v20 =	vor.u32 $0x3, v11  }
0x8b: {  	vm0 =	vgt.f32 v12, v10  }
0x8c: {  	vm1 =	vgt.f32 v13, v14;
	v10 =	vld.idx.msk [tilespmem:v16+s2+$0x0], $0xffff;
	v14 =	vsel vm0, $0x2, v1  }
0x8d: {  	v16 =	vsel vm1, $0x2, v1;
	v22 =	vor.u32 v14, v7  }
0x8e: {  	v9 =	vor.u32 v16, v9;
	vm0 =	vgt.f32 v19, v17;
	v7 =	vld.idx.msk [tilespmem:v18+s2+$0x0], $0xffff  }
0x8f: {  	v16 =	vld.idx.msk [tilespmem:v20+s2+$0x0], $0xffff;
	v17 =	vsel vm0, $0x4, v1  }
0x90: {  	v14 =	vld [tilespmem:s17+$0x200];
	v15 =	vor.u32 v15, v17  }
0x91: {  	v18 =	vld [tilespmem:s19+$0x110];
	vm0 =	vgt.f32 v8, v10;
	v10 =	vor.u32 $0x1, v15  }
0x92: {  	v17 =	vsel vm0, $0x2, v1;
	v20 =	vld.idx.msk [tilespmem:v22+s2+$0x0], $0xffff  }
0x93: {  	v23 =	vld.idx.msk [tilespmem:v9+s2+$0x0], $0xffff;
	v17 =	vor.u32 v17, v6;
	vm0 =	vgt.f32 v21, v7  }
0x94: {  	vm1 =	vgt.f32 v5, v16;
	v6 =	vsel vm0, $0x2, v1  }
0x95: {  	vm0 =	vgt.f32 v14, v3;
	v7 =	vsel vm1, $0x4, v1;
	v4 =	vor.u32 v6, v4  }
0x96: {  	v16 =	vsel vm0, $0x8, v1;
	v11 =	vor.u32 v11, v7;
	vm0 =	vgt.f32 v18, v3;
	v10 =	vld.idx.msk [tilespmem:v10+s2+$0x0], $0xffff  }
0x97: {  	v6 =	vld [tilespmem:s15+$0x180];
	v24 =	vor.u32 $0x1, v11;
	vm1 =	vgt.f32 v12, v20;
	v20 =	vsel vm0, $0x8, v1  }
0x98: {  	vm0 =	vgt.f32 v13, v23;
	v12 =	vld.idx.msk [tilespmem:v17+s2+$0x0], $0xffff;
	v13 =	vsel vm1, $0xFFFFFFF9, v0;
	v23 =	vor.u32 $0x3, v20  }
0x99: {  	v7 =	vld [tilespmem:s15+$0x210];
	v25 =	vor.u32 $0x3, v16;
	v26 =	vsel vm0, $0xFFFFFFF9, v0;
	v13 =	vadd.s32 v22, v13  }
0x9a: {  	v9 =	vadd.s32 v9, v26;
	v22 =	vld.idx.msk [tilespmem:v4+s2+$0x0], $0xffff;
	v13 =	vcvt.s32.f32 v13  }
0x9b: {  	v9 =	vcvt.s32.f32 v9;
	vm0 =	vgt.f32 v19, v10  }
0x9c: {  	vm1 =	vgt.f32 v6, v3;
	v10 =	vld.idx.msk [tilespmem:v24+s2+$0x0], $0xffff;
	v24 =	vsel vm0, $0x2, v1;
	[tilespmem:s19+$0x90] =	vst v13  }
0x9d: {  	v13 =	vsel vm1, $0x8, v1;
	[tilespmem:s17+$0x180] =	vst v9;
	vm0 =	vgt.f32 v8, v12;
	v15 =	vor.u32 v24, v15;
	v8 =	vld.idx.msk [tilespmem:v23+s2+$0x0], $0xffff  }
0x9e: {  	v9 =	vor.u32 $0x3, v13;
	v23 =	vld.idx.msk [tilespmem:v25+s2+$0x0], $0xffff;
	v12 =	vsel vm0, $0xFFFFFFF9, v0;
	vm0 =	vgt.f32 v7, v3  }
0x9f: {  	v12 =	vadd.s32 v17, v12;
	v17 =	vsel vm0, $0x8, v1;
	vm1 =	vgt.f32 v21, v22  }
0xa0: {  	v21 =	vcvt.s32.f32 v12;
	v24 =	vor.u32 $0x3, v17;
	v22 =	vsel vm1, $0xFFFFFFF9, v0  }
0xa1: {  	v12 =	vld [tilespmem:s17+$0x310];
	vm0 =	vgt.f32 v5, v10;
	v4 =	vadd.s32 v4, v22  }
0xa2: {  	[tilespmem:s15+$0x100] =	vst v21;
	v10 =	vsel vm0, $0x2, v1;
	v21 =	vld.idx.msk [tilespmem:v15+s2+$0x0], $0xffff;
	v4 =	vcvt.s32.f32 v4;
	vm0 =	vgt.f32 v18, v8  }
0xa3: {  	vm1 =	vgt.f32 v14, v23;
	v22 =	vld.idx.msk [tilespmem:v9+s2+$0x0], $0xffff;
	v23 =	vor.u32 v10, v11;
	v9 =	vsel vm0, $0x4, v1  }
0xa4: {  	v8 =	vld [tilespmem:s17+$0x280];
	v10 =	vsel vm1, $0x4, v1;
	[tilespmem:s15+$0x190] =	vst v4;
	v25 =	vor.u32 v20, v9  }
0xa5: {  	v26 =	vor.u32 v16, v10;
	v10 =	vld.idx.msk [tilespmem:v24+s2+$0x0], $0xffff;
	v11 =	vor.u32 $0x1, v25  }
0xa6: {  	vm0 =	vgt.f32 v12, v3;
	v16 =	vor.u32 $0x1, v26  }
0xa7: {  	v9 =	vld [tilespmem:s19+$0x100];
	vm1 =	vgt.f32 v19, v21;
	v19 =	vsel vm0, $0x8, v1  }
0xa8: {  	vm0 =	vgt.f32 v6, v22;
	v21 =	vld.idx.msk [tilespmem:v23+s2+$0x0], $0xffff;
	v20 =	vsel vm1, $0xFFFFFFF9, v0;
	v22 =	vor.u32 $0x3, v19  }
0xa9: {  	s8 =	simm.s32 $0x60;
	s12 =	simm.s32 $0x300;
	v4 =	vld [tilespmem:s17+$0x300];
	vm1 =	vgt.f32 v8, v3;
	v24 =	vsel vm0, $0x4, v1;
	v15 =	vadd.s32 v15, v20  }
0xaa: {  	s0 =	sand.u32 $0x60, s8;
	s1 =	sand.u32 $0x7C00, s12;
	v27 =	vor.u32 v13, v24;
	v13 =	vcvt.s32.f32 v15;
	vm0 =	vgt.f32 v7, v10;
	v15 =	vld.idx.msk [tilespmem:v11+s2+$0x0], $0xffff  }
0xab: {  	s16 =	sor.u32 s0, s1;
	v28 =	vsel vm1, $0x8, v1;
	v24 =	vld.idx.msk [tilespmem:v16+s2+$0x0], $0xffff;
	v10 =	vsel vm0, $0x4, v1  }
0xac: {  	v20 =	vld [tilespmem:s16+$0x90];
	v29 =	vor.u32 $0x1, v27;
	vm0 =	vgt.f32 v9, v3;
	[tilespmem:s17+$0x290] =	vst v13;
	v17 =	vor.u32 v17, v10  }
0xad: {  	v30 =	vsel vm0, $0x8, v1;
	vm0 =	vgt.f32 v5, v21;
	v13 =	vld.idx.msk [tilespmem:v22+s2+$0x0], $0xffff;
	v21 =	vor.u32 $0x1, v17  }
0xae: {  	vm1 =	vgt.f32 v4, v3;
	v22 =	vor.u32 $0x3, v30;
	v5 =	vsel vm0, $0xFFFFFFF9, v0  }
0xaf: {  	v11 =	vsel vm1, $0x8, v1;
	v10 =	vld [tilespmem:s15+$0x200];
	v5 =	vadd.s32 v23, v5;
	vm0 =	vgt.f32 v18, v15  }
0xb0: {  	v16 =	vld [tilespmem:s15+$0x280];
	vm1 =	vgt.f32 v14, v24;
	v23 =	vcvt.s32.f32 v5;
	v24 =	vsel vm0, $0x2, v1  }
0xb1: {  	v15 =	vld.idx.msk [tilespmem:v29+s2+$0x0], $0xffff;
	v29 =	vsel vm1, $0x2, v1;
	vm0 =	vgt.f32 v20, v3;
	v25 =	vor.u32 v24, v25  }
0xb2: {  	v26 =	vor.u32 v29, v26;
	[tilespmem:s19+$0x80] =	vst v23;
	v32 =	vsel vm0, $0x8, v1;
	vm1 =	vgt.f32 v12, v13;
	v21 =	vld.idx.msk [tilespmem:v21+s2+$0x0], $0xffff  }
0xb3: {  	v22 =	vld.idx.msk [tilespmem:v22+s2+$0x0], $0xffff;
	v29 =	vor.u32 $0x3, v32;
	v13 =	vsel vm1, $0x4, v1  }
0xb4: {  	v5 =	vld [tilespmem:s15+$0x300];
	vm0 =	vgt.f32 v10, v3;
	v34 =	vor.u32 v19, v13  }
0xb5: {  	v31 =	vor.u32 $0x3, v28;
	v33 =	vsel vm0, $0x8, v1;
	v19 =	vld [tilespmem:s19+$0x190];
	v35 =	vor.u32 $0x1, v34  }
0xb6: {  	vm0 =	vgt.f32 v16, v3;
	v36 =	vor.u32 $0x3, v33;
	vm1 =	vgt.f32 v6, v15;
	v37 =	vld.idx.msk [tilespmem:v25+s2+$0x0], $0xffff  }
0xb7: {  	v13 =	vsel vm0, $0x8, v1;
	v15 =	vsel vm1, $0x2, v1;
	v38 =	vld.idx.msk [tilespmem:v26+s2+$0x0], $0xffff;
	vm0 =	vgt.f32 v7, v21  }
0xb8: {  	v27 =	vor.u32 v15, v27;
	vm2 =	vgt.f32 v9, v22;
	v39 =	vld.idx.msk [tilespmem:v29+s2+$0x0], $0xffff;
	v22 =	vsel vm0, $0x2, v1  }
0xb9: {  	vm1 =	vgt.f32 v5, v3;
	v15 =	vld [tilespmem:s19+$0x180];
	v29 =	vsel vm2, $0x4, v1;
	v22 =	vor.u32 v22, v17  }
0xba: {  	v21 =	vsel vm1, $0x8, v1;
	v40 =	vor.u32 v30, v29;
	vm0 =	vgt.f32 v19, v3;
	v35 =	vld.idx.msk [tilespmem:v35+s2+$0x0], $0xffff  }
0xbb: {  	v29 =	vld [tilespmem:s16+$0x80];
	v41 =	vor.u32 $0x1, v40;
	v52 =	vsel vm0, $0x8, v1;
	vm1 =	vgt.f32 v18, v37  }
0xbc: {  	v30 =	vld [tilespmem:s15+$0x290];
	vm0 =	vgt.f32 v14, v38;
	v53 =	vor.u32 $0x3, v52;
	v18 =	vsel vm1, $0xFFFFFFF9, v0  }
0xbd: {  	v14 =	vld.idx.msk [tilespmem:v27+s2+$0x0], $0xffff;
	v42 =	vsel vm0, $0xFFFFFFF9, v0;
	vm0 =	vgt.f32 v20, v39;
	v18 =	vadd.s32 v25, v18  }
0xbe: {  	v25 =	vadd.s32 v26, v42;
	v39 =	vsel vm0, $0x4, v1;
	v26 =	vld.idx.msk [tilespmem:v22+s2+$0x0], $0xffff;
	v18 =	vcvt.s32.f32 v18  }
0xbf: {  	v25 =	vcvt.s32.f32 v25;
	v32 =	vor.u32 v32, v39;
	vm0 =	vgt.f32 v12, v35  }
0xc0: {  	v54 =	vld.idx.msk [tilespmem:v41+s2+$0x0], $0xffff;
	v56 =	vor.u32 $0x1, v32;
	v55 =	vsel vm0, $0x2, v1;
	vm0 =	vgt.f32 v29, v3;
	[tilespmem:s19+$0x110] =	vst v18  }
0xc1: {  	vm1 =	vgt.f32 v15, v3;
	[tilespmem:s17+$0x200] =	vst v25;
	v25 =	vor.u32 v55, v34;
	v57 =	vsel vm0, $0x8, v1;
	v38 =	vld.idx.msk [tilespmem:v53+s2+$0x0], $0xffff  }
0xc2: {  	vm2 =	vgt.f32 v30, v3;
	v31 =	vld.idx.msk [tilespmem:v31+s2+$0x0], $0xffff;
	vm0 =	vgt.f32 v6, v14;
	v6 =	vor.u32 $0x3, v57  }
0xc3: {  	v39 =	vsel vm1, $0x8, v1;
	v14 =	vsel vm0, $0xFFFFFFF9, v0;
	vm0 =	vgt.f32 v7, v26  }
0xc4: {  	v18 =	vld [tilespmem:s19+$0x200];
	v26 =	vsel vm2, $0x8, v1;
	v7 =	vadd.s32 v27, v14;
	v14 =	vsel vm0, $0xFFFFFFF9, v0  }
0xc5: {  	v27 =	vor.u32 $0x3, v26;
	v7 =	vcvt.s32.f32 v7;
	v14 =	vadd.s32 v22, v14;
	v22 =	vld.idx.msk [tilespmem:v56+s2+$0x0], $0xffff  }
0xc6: {  	vm0 =	vgt.f32 v9, v54;
	v58 =	vld.idx.msk [tilespmem:v25+s2+$0x0], $0xffff;
	v14 =	vcvt.s32.f32 v14;
	vm1 =	vgt.f32 v19, v38  }
0xc7: {  	vm2 =	vgt.f32 v8, v31;
	[tilespmem:s15+$0x180] =	vst v7;
	v7 =	vsel vm0, $0x2, v1;
	v31 =	vld.idx.msk [tilespmem:v6+s2+$0x0], $0xffff;
	v6 =	vsel vm1, $0x4, v1  }
0xc8: {  	v36 =	vld.idx.msk [tilespmem:v36+s2+$0x0], $0xffff;
	v40 =	vor.u32 v7, v40;
	v37 =	vor.u32 v52, v6  }
0xc9: {  	vm0 =	vgt.f32 v18, v3;
	v59 =	vsel vm2, $0x4, v1;
	[tilespmem:s15+$0x210] =	vst v14;
	v60 =	vor.u32 $0x1, v37  }
0xca: {  	v38 =	vor.u32 v28, v59;
	v14 =	vsel vm0, $0x8, v1;
	v28 =	vld.idx.msk [tilespmem:v27+s2+$0x0], $0xffff;
	vm0 =	vgt.f32 v20, v22  }
0xcb: {  	v7 =	vld [tilespmem:s19+$0x300];
	v61 =	vor.u32 $0x1, v38;
	v22 =	vsel vm0, $0x2, v1  }
0xcc: {  	v23 =	vor.u32 $0x3, v11;
	v6 =	vld [tilespmem:s19+$0x280];
	vm0 =	vgt.f32 v12, v58;
	v12 =	vor.u32 v22, v32  }
0xcd: {  	s13 =	sand.u32 $0x3, s2;
	vm1 =	vgt.f32 v29, v31;
	vm2 =	vgt.f32 v10, v36;
	v31 =	vld.idx.msk [tilespmem:v40+s2+$0x0], $0xffff;
	v22 =	vsel vm0, $0xFFFFFFF9, v0  }
0xce: {  	s0 =	sshll.u32 s13, $0x5;
	v62 =	vsel vm1, $0x4, v1;
	v22 =	vadd.s32 v25, v22;
	v51 =	vsel vm2, $0x4, v1;
	v25 =	vld.idx.msk [tilespmem:v60+s2+$0x0], $0xffff  }
0xcf: {  	s21 =	sadd.s32 $0x0, s0;
	v32 =	vld [tilespmem:s16+$0x110];
	v63 =	vor.u32 v57, v62;
	vm0 =	vgt.f32 v30, v28;
	v28 =	vcvt.s32.f32 v22  }
0xd0: {  	s0 =	sadd.s32 $0x10, s21;
	v49 =	vld.idx.msk [tilespmem:v61+s2+$0x0], $0xffff;
	v33 =	vor.u32 v33, v51;
	v50 =	vor.u32 $0x1, v63;
	v22 =	vsel vm0, $0x4, v1  }
0xd1: {  	s14 =	sor.u32 $0x300, s0;
	vm0 =	vgt.f32 v6, v3;
	v46 =	vor.u32 $0x1, v33;
	v52 =	vor.u32 v26, v22;
	[tilespmem:s17+$0x310] =	vst v28;
	v45 =	vld.idx.msk [tilespmem:v12+s2+$0x0], $0xffff  }
0xd2: {  	v22 =	vsel vm0, $0x8, v1;
	v44 =	vor.u32 $0x1, v52;
	vm0 =	vgt.f32 v9, v31;
	v34 =	vld [tilespmem:s14+$0x80]  }
0xd3: {  	vm1 =	vgt.f32 v7, v3;
	v31 =	vsel vm0, $0xFFFFFFF9, v0;
	vm0 =	vgt.f32 v19, v25  }
0xd4: {  	v43 =	vor.u32 $0x3, v39;
	v26 =	vld [tilespmem:s16+$0x100];
	v9 =	vsel vm1, $0x8, v1;
	v54 =	vsel vm0, $0x2, v1  }
0xd5: {  	v31 =	vadd.s32 v40, v31;
	vm1 =	vgt.f32 v8, v49;
	v53 =	vld.idx.msk [tilespmem:v50+s2+$0x0], $0xffff;
	v37 =	vor.u32 v54, v37  }
0xd6: {  	v31 =	vcvt.s32.f32 v31;
	vm0 =	vgt.f32 v32, v3;
	v57 =	vld.idx.msk [tilespmem:v46+s2+$0x0], $0xffff;
	v58 =	vsel vm1, $0x2, v1  }
0xd7: {  	v56 =	vsel vm0, $0x8, v1;
	v55 =	vld.idx.msk [tilespmem:v44+s2+$0x0], $0xffff;
	vm2 =	vgt.f32 v20, v45;
	vm0 =	vgt.f32 v34, v3  }
0xd8: {  	v36 =	vld [tilespmem:s19+$0x210];
	[tilespmem:s19+$0x100] =	vst v31;
	v31 =	vor.u32 $0x3, v56;
	v20 =	vsel vm2, $0xFFFFFFF9, v0;
	v47 =	vsel vm0, $0x8, v1  }
0xd9: {  	v38 =	vor.u32 v58, v38;
	v43 =	vld.idx.msk [tilespmem:v43+s2+$0x0], $0xffff;
	v12 =	vadd.s32 v12, v20;
	v48 =	vor.u32 $0x3, v47  }
0xda: {  	vm1 =	vgt.f32 v26, v3;
	vm0 =	vgt.f32 v29, v53;
	v12 =	vcvt.s32.f32 v12;
	v59 =	vld.idx.msk [tilespmem:v37+s2+$0x0], $0xffff  }
0xdb: {  	v24 =	vor.u32 $0x3, v13;
	v46 =	vsel vm1, $0x8, v1;
	v20 =	vsel vm0, $0x2, v1  }
0xdc: {  	v25 =	vld [tilespmem:s16+$0x180];
	vm1 =	vgt.f32 v10, v57;
	v35 =	vor.u32 v20, v63;
	vm0 =	vgt.f32 v30, v55;
	[tilespmem:s16+$0x90] =	vst v12  }
0xdd: {  	v41 =	vor.u32 $0x3, v46;
	v45 =	vsel vm1, $0x2, v1;
	v49 =	vsel vm0, $0x2, v1;
	v31 =	vld.idx.msk [tilespmem:v31+s2+$0x0], $0xffff  }
0xde: {  	vm2 =	vgt.f32 v36, v3;
	v45 =	vor.u32 v45, v33;
	v42 =	vor.u32 v49, v52;
	v60 =	vld.idx.msk [tilespmem:v48+s2+$0x0], $0xffff  }
0xdf: {  	v61 =	vld.idx.msk [tilespmem:v38+s2+$0x0], $0xffff;
	vm1 =	vgt.f32 v15, v43;
	v49 =	vsel vm2, $0x8, v1;
	vm2 =	vgt.f32 v19, v59  }
0xe0: {  	v33 =	vld [tilespmem:s15+$0x310];
	v51 =	vor.u32 $0x3, v49;
	v19 =	vsel vm1, $0x4, v1;
	v50 =	vsel vm2, $0xFFFFFFF9, v0  }
0xe1: {  	vm0 =	vgt.f32 v25, v3;
	v62 =	vld.idx.msk [tilespmem:v35+s2+$0x0], $0xffff;
	v39 =	vor.u32 v39, v19;
	v19 =	vadd.s32 v37, v50  }
0xe2: {  	vm1 =	vgt.f32 v32, v31;
	v31 =	vor.u32 $0x1, v39;
	v50 =	vcvt.s32.f32 v19  }
0xe3: {  	v63 =	vld.idx.msk [tilespmem:v42+s2+$0x0], $0xffff;
	v52 =	vsel vm1, $0x4, v1;
	v19 =	vsel vm0, $0x8, v1;
	vm0 =	vgt.f32 v34, v60  }
0xe4: {  	vm1 =	vgt.f32 v8, v61;
	v8 =	vld.idx.msk [tilespmem:v45+s2+$0x0], $0xffff;
	v56 =	vor.u32 v56, v52;
	v57 =	vsel vm0, $0x4, v1;
	[tilespmem:s19+$0x190] =	vst v50  }
0xe5: {  	vm2 =	vgt.f32 v33, v3;
	v58 =	vor.u32 $0x1, v56;
	v44 =	vor.u32 v47, v57;
	v60 =	vld.idx.msk [tilespmem:v51+s2+$0x0], $0xffff  }
0xe6: {  	v59 =	vsel vm1, $0xFFFFFFF9, v0;
	v61 =	vor.u32 $0x1, v44;
	vm1 =	vgt.f32 v29, v62  }
0xe7: {  	v38 =	vadd.s32 v38, v59;
	v62 =	vsel vm2, $0x8, v1;
	v29 =	vld.idx.msk [tilespmem:v31+s2+$0x0], $0xffff;
	v31 =	vsel vm1, $0xFFFFFFF9, v0  }
0xe8: {  	v20 =	vld [tilespmem:s16+$0x200];
	vm1 =	vgt.f32 v30, v63;
	v30 =	vadd.s32 v35, v31;
	v63 =	vor.u32 $0x3, v62  }
0xe9: {  	v31 =	vsel vm1, $0xFFFFFFF9, v0;
	vm1 =	vgt.f32 v10, v8;
	v10 =	vcvt.s32.f32 v30;
	v8 =	vld [tilespmem:s16+$0x280]  }
0xea: {  	v30 =	vadd.s32 v42, v31;
	v31 =	vld.idx.msk [tilespmem:v58+s2+$0x0], $0xffff;
	v48 =	vsel vm1, $0xFFFFFFF9, v0;
	vm1 =	vgt.f32 v36, v60  }
0xeb: {  	v38 =	vcvt.s32.f32 v38;
	v30 =	vcvt.s32.f32 v30;
	v51 =	vld.idx.msk [tilespmem:v61+s2+$0x0], $0xffff;
	[tilespmem:s16+$0x80] =	vst v10;
	v10 =	vsel vm1, $0x4, v1  }
0xec: {  	v40 =	vadd.s32 v45, v48;
	vm1 =	vgt.f32 v15, v29;
	v29 =	vld.idx.msk [tilespmem:v41+s2+$0x0], $0xffff;
	v41 =	vor.u32 v49, v10  }
0xed: {  	v40 =	vcvt.s32.f32 v40;
	[tilespmem:s15+$0x290] =	vst v30;
	v52 =	vsel vm1, $0x2, v1;
	v53 =	vor.u32 $0x1, v41  }
0xee: {  	s3 =	simm.s32 $0x80;
	s4 =	simm.s32 $0x400;
	vm0 =	vgt.f32 v20, v3;
	[tilespmem:s17+$0x280] =	vst v38;
	v35 =	vld.idx.msk [tilespmem:v63+s2+$0x0], $0xffff;
	v45 =	vor.u32 v52, v39  }
0xef: {  	s3 =	sand.u32 $0x60, s3;
	s4 =	sand.u32 $0x7C00, s4;
	v38 =	vld.idx.msk [tilespmem:v23+s2+$0x0], $0xffff;
	v30 =	vsel vm0, $0x8, v1;
	[tilespmem:s15+$0x200] =	vst v40;
	vm0 =	vgt.f32 v32, v31  }
0xf0: {  	s12 =	sor.u32 s3, s4;
	v40 =	vld.idx.msk [tilespmem:v24+s2+$0x0], $0xffff;
	v23 =	vsel vm0, $0x2, v1;
	vm0 =	vgt.f32 v8, v3;
	vm1 =	vgt.f32 v34, v51  }
0xf1: {  	v42 =	vor.u32 v23, v56;
	v23 =	vsel vm0, $0x8, v1;
	vm0 =	vgt.f32 v26, v29;
	v29 =	vld [tilespmem:s12+$0x90]  }
0xf2: {  	v17 =	vor.u32 $0x3, v21;
	v24 =	vsel vm1, $0x2, v1;
	v54 =	vsel vm0, $0x4, v1;
	v55 =	vld.idx.msk [tilespmem:v53+s2+$0x0], $0xffff  }
0xf3: {  	v43 =	vor.u32 v24, v44;
	vm0 =	vgt.f32 v33, v35;
	v56 =	vld.idx.msk [tilespmem:v45+s2+$0x0], $0xffff;
	v44 =	vor.u32 v46, v54  }
0xf4: {  	vm1 =	vgt.f32 v4, v38;
	v57 =	vsel vm0, $0x4, v1;
	v58 =	vor.u32 $0x1, v44  }
0xf5: {  	v27 =	vor.u32 $0x3, v14;
	v38 =	vld [tilespmem:s16+$0x190];
	v59 =	vsel vm1, $0x4, v1;
	v46 =	vor.u32 v62, v57  }
0xf6: {  	vm1 =	vgt.f32 v16, v40;
	v60 =	vor.u32 $0x1, v46;
	v61 =	vld.idx.msk [tilespmem:v42+s2+$0x0], $0xffff;
	vm2 =	vgt.f32 v29, v3  }
0xf7: {  	v10 =	vld [tilespmem:s16+$0x300];
	v11 =	vor.u32 v11, v59;
	v62 =	vsel vm1, $0x4, v1;
	v51 =	vsel vm2, $0x8, v1  }
0xf8: {  	v63 =	vld.idx.msk [tilespmem:v43+s2+$0x0], $0xffff;
	vm1 =	vgt.f32 v36, v55;
	vm2 =	vgt.f32 v15, v56;
	v47 =	vor.u32 $0x3, v51  }
0xf9: {  	v52 =	vor.u32 v13, v62;
	v15 =	vsel vm1, $0x2, v1;
	v13 =	vld.idx.msk [tilespmem:v58+s2+$0x0], $0xffff;
	v56 =	vsel vm2, $0xFFFFFFF9, v0  }
0xfa: {  	v37 =	vld [tilespmem:s12+$0x80];
	vm1 =	vgt.f32 v38, v3;
	v15 =	vor.u32 v15, v41;
	v45 =	vadd.s32 v45, v56  }
0xfb: {  	v57 =	vld.idx.msk [tilespmem:v60+s2+$0x0], $0xffff;
	vm2 =	vgt.f32 v32, v61;
	v32 =	vsel vm1, $0x8, v1;
	v45 =	vcvt.s32.f32 v45  }
0xfc: {  	v35 =	vld [tilespmem:s19+$0x290];
	vm0 =	vgt.f32 v10, v3;
	v59 =	vsel vm2, $0xFFFFFFF9, v0;
	v60 =	vor.u32 $0x3, v32  }
0xfd: {  	v58 =	vor.u32 $0x1, v52;
	vm1 =	vgt.f32 v34, v63;
	v61 =	vadd.s32 v42, v59;
	v47 =	vld.idx.msk [tilespmem:v47+s2+$0x0], $0xffff;
	[tilespmem:s19+$0x180] =	vst v45  }
0xfe: {  	v63 =	vsel vm1, $0xFFFFFFF9, v0;
	v34 =	vcvt.s32.f32 v61;
	vm1 =	vgt.f32 v26, v13;
	v27 =	vld.idx.msk [tilespmem:v27+s2+$0x0], $0xffff  }
0xff: {  	v62 =	vor.u32 $0x1, v11;
	v42 =	vadd.s32 v43, v63;
	v49 =	vld.idx.msk [tilespmem:v15+s2+$0x0], $0xffff;
	v13 =	vsel vm1, $0x2, v1  }
0x100: {  	v42 =	vcvt.s32.f32 v42;
	vm1 =	vgt.f32 v33, v57;
	[tilespmem:s16+$0x110] =	vst v34;
	v41 =	vor.u32 v13, v44  }
0x101: {  	v13 =	vsel vm0, $0x8, v1;
	v53 =	vsel vm1, $0x2, v1;
	vm1 =	vgt.f32 v37, v3;
	v54 =	vld.idx.msk [tilespmem:v60+s2+$0x0], $0xffff  }
0x102: {  	s20 =	sor.u32 $0x380, s0;
	v56 =	vld.idx.msk [tilespmem:v58+s2+$0x0], $0xffff;
	[tilespmem:s14+$0x80] =	vst v42;
	v45 =	vor.u32 v53, v46;
	v46 =	vsel vm1, $0x8, v1;
	vm1 =	vgt.f32 v29, v47  }
0x103: {  	vm0 =	vgt.f32 v35, v3;
	v34 =	vld [tilespmem:s20+$0x80];
	v55 =	vor.u32 $0x3, v46;
	v57 =	vsel vm1, $0x4, v1  }
0x104: {  	vm1 =	vgt.f32 v18, v27;
	vm2 =	vgt.f32 v36, v49;
	v36 =	vsel vm0, $0x8, v1  }
0x105: {  	v40 =	vld.idx.msk [tilespmem:v62+s2+$0x0], $0xffff;
	v43 =	vor.u32 v51, v57;
	v58 =	vsel vm2, $0xFFFFFFF9, v0;
	v59 =	vor.u32 $0x3, v36  }
0x106: {  	v60 =	vld.idx.msk [tilespmem:v41+s2+$0x0], $0xffff;
	v61 =	vor.u32 $0x1, v43;
	v15 =	vadd.s32 v15, v58;
	vm0 =	vgt.f32 v38, v54  }
0x107: {  	v62 =	vsel vm1, $0x4, v1;
	v27 =	vld.idx.msk [tilespmem:v45+s2+$0x0], $0xffff;
	v15 =	vcvt.s32.f32 v15;
	v44 =	vsel vm0, $0x4, v1  }
0x108: {  	vm1 =	vgt.f32 v16, v56;
	vm0 =	vgt.f32 v34, v3;
	v53 =	vld.idx.msk [tilespmem:v55+s2+$0x0], $0xffff;
	v44 =	vor.u32 v32, v44  }
0x109: {  	v51 =	vor.u32 v14, v62;
	v47 =	vsel vm0, $0x8, v1;
	[tilespmem:s19+$0x210] =	vst v15;
	v15 =	vor.u32 $0x1, v44  }
0x10a: {  	vm0 =	vgt.f32 v4, v40;
	v55 =	vsel vm1, $0x2, v1;
	v14 =	vor.u32 $0x3, v47;
	v63 =	vld.idx.msk [tilespmem:v59+s2+$0x0], $0xffff  }
0x10b: {  	v39 =	vor.u32 $0x3, v19;
	v57 =	vsel vm0, $0x2, v1;
	v52 =	vor.u32 v55, v52;
	v48 =	vld.idx.msk [tilespmem:v61+s2+$0x0], $0xffff  }
0x10c: {  	v56 =	vor.u32 $0x1, v51;
	v32 =	vld [tilespmem:s12+$0x100];
	v42 =	vor.u32 v57, v11;
	vm0 =	vgt.f32 v33, v27  }
0x10d: {  	s18 =	simm.s32 $0x1;
	vm1 =	vgt.f32 v26, v60;
	v27 =	vld [tilespmem:s12+$0x180];
	v11 =	vsel vm0, $0xFFFFFFF9, v0;
	vm0 =	vgt.f32 v37, v53  }
0x10e: {  	s0 =	sand.u32 $0x3, s18;
	v26 =	vsel vm1, $0xFFFFFFF9, v0;
	v11 =	vadd.s32 v45, v11;
	v58 =	vsel vm0, $0x4, v1;
	v59 =	vld.idx.msk [tilespmem:v15+s2+$0x0], $0xffff  }
0x10f: {  	s0 =	sshll.u32 s0, $0x5;
	v14 =	vld.idx.msk [tilespmem:v14+s2+$0x0], $0xffff;
	v15 =	vadd.s32 v41, v26;
	v26 =	vcvt.s32.f32 v11;
	v46 =	vor.u32 v46, v58  }
0x110: {  	s23 =	sadd.s32 $0x100, s0;
	v50 =	vld.idx.msk [tilespmem:v52+s2+$0x0], $0xffff;
	vm0 =	vgt.f32 v35, v63;
	vm1 =	vgt.f32 v29, v48;
	v33 =	vor.u32 $0x1, v46  }
0x111: {  	s0 =	sadd.s32 $0x10, s23;
	v11 =	vld [tilespmem:s12+$0x200];
	v60 =	vcvt.s32.f32 v15;
	v61 =	vsel vm0, $0x4, v1;
	v62 =	vsel vm1, $0x2, v1  }
0x112: {  	s22 =	sor.u32 $0x300, s0;
	v28 =	vor.u32 $0x3, v22;
	v48 =	vld.idx.msk [tilespmem:v56+s2+$0x0], $0xffff;
	[tilespmem:s15+$0x310] =	vst v26;
	v53 =	vor.u32 v36, v61;
	v49 =	vor.u32 v62, v43  }
0x113: {  	v12 =	vor.u32 $0x3, v9;
	vm0 =	vgt.f32 v32, v3;
	[tilespmem:s16+$0x100] =	vst v60;
	v40 =	vld [tilespmem:s22+$0x80];
	v54 =	vor.u32 $0x1, v53  }
0x114: {  	v31 =	vor.u32 $0x3, v30;
	v43 =	vsel vm0, $0x8, v1;
	v39 =	vld.idx.msk [tilespmem:v39+s2+$0x0], $0xffff;
	vm1 =	vgt.f32 v38, v59  }
0x115: {  	vm0 =	vgt.f32 v34, v14;
	v14 =	vsel vm1, $0x2, v1;
	vm1 =	vgt.f32 v27, v3;
	v63 =	vld.idx.msk [tilespmem:v33+s2+$0x0], $0xffff  }
0x116: {  	v41 =	vld [tilespmem:s12+$0x110];
	v26 =	vsel vm0, $0x4, v1;
	vm0 =	vgt.f32 v11, v3;
	v44 =	vor.u32 v14, v44  }
0x117: {  	v33 =	vsel vm1, $0x8, v1;
	v47 =	vor.u32 v47, v26;
	v26 =	vsel vm0, $0x8, v1;
	v57 =	vld.idx.msk [tilespmem:v49+s2+$0x0], $0xffff  }
0x118: {  	vm0 =	vgt.f32 v18, v48;
	v56 =	vor.u32 $0x1, v47;
	vm1 =	vgt.f32 v40, v3;
	v60 =	vld.idx.msk [tilespmem:v54+s2+$0x0], $0xffff  }
0x119: {  	v61 =	vsel vm0, $0x2, v1;
	vm0 =	vgt.f32 v25, v39;
	v58 =	vsel vm1, $0x8, v1  }
0x11a: {  	v14 =	vld [tilespmem:s12+$0x280];
	v51 =	vor.u32 v61, v51;
	v62 =	vor.u32 $0x3, v58;
	vm2 =	vgt.f32 v37, v63  }
0x11b: {  	v39 =	vld [tilespmem:s16+$0x210];
	vm1 =	vgt.f32 v16, v50;
	v16 =	vsel vm2, $0x2, v1;
	vm2 =	vgt.f32 v41, v3  }
0x11c: {  	v63 =	vld.idx.msk [tilespmem:v44+s2+$0x0], $0xffff;
	v46 =	vor.u32 v16, v46;
	v50 =	vsel vm2, $0x8, v1;
	vm2 =	vgt.f32 v29, v57  }
0x11d: {  	v57 =	vld.idx.msk [tilespmem:v42+s2+$0x0], $0xffff;
	v16 =	vsel vm2, $0xFFFFFFF9, v0;
	vm2 =	vgt.f32 v35, v60;
	v60 =	vor.u32 $0x3, v50  }
0x11e: {  	v24 =	vor.u32 $0x3, v23;
	v59 =	vsel vm0, $0x4, v1;
	v16 =	vadd.s32 v49, v16  }
0x11f: {  	vm0 =	vgt.f32 v14, v3;
	v61 =	vld.idx.msk [tilespmem:v62+s2+$0x0], $0xffff;
	v29 =	vsel vm2, $0x2, v1;
	v62 =	vcvt.s32.f32 v16  }
0x120: {  	v56 =	vld.idx.msk [tilespmem:v56+s2+$0x0], $0xffff;
	v16 =	vsel vm0, $0x8, v1;
	v53 =	vor.u32 v29, v53;
	vm0 =	vgt.f32 v39, v3  }
0x121: {  	v19 =	vor.u32 v19, v59;
	vm2 =	vgt.f32 v38, v63;
	v63 =	vld.idx.msk [tilespmem:v51+s2+$0x0], $0xffff;
	v59 =	vsel vm0, $0x8, v1;
	[tilespmem:s12+$0x90] =	vst v62  }
0x122: {  	vm0 =	vgt.f32 v4, v57;
	v4 =	vsel vm2, $0xFFFFFFF9, v0;
	v54 =	vor.u32 $0x3, v59;
	v48 =	vld.idx.msk [tilespmem:v60+s2+$0x0], $0xffff  }
0x123: {  	v15 =	vor.u32 $0x3, v13;
	v57 =	vor.u32 $0x1, v19;
	v4 =	vadd.s32 v44, v4  }
0x124: {  	v38 =	vld [tilespmem:s19+$0x310];
	v60 =	vsel vm1, $0xFFFFFFF9, v0;
	vm1 =	vgt.f32 v40, v61;
	v49 =	vcvt.s32.f32 v4  }
0x125: {  	vm2 =	vgt.f32 v34, v56;
	v44 =	vadd.s32 v52, v60;
	v52 =	vsel vm1, $0x4, v1;
	v45 =	vld.idx.msk [tilespmem:v53+s2+$0x0], $0xffff  }
0x126: {  	v55 =	vor.u32 $0x3, v43;
	v56 =	vld.idx.msk [tilespmem:v46+s2+$0x0], $0xffff;
	v61 =	vsel vm2, $0x2, v1;
	v52 =	vor.u32 v58, v52;
	[tilespmem:s16+$0x190] =	vst v49  }
0x127: {  	vm1 =	vgt.f32 v18, v63;
	v63 =	vor.u32 $0x1, v52;
	v54 =	vld.idx.msk [tilespmem:v54+s2+$0x0], $0xffff;
	vm2 =	vgt.f32 v41, v48  }
0x128: {  	v47 =	vor.u32 v61, v47;
	v44 =	vcvt.s32.f32 v44;
	v48 =	vsel vm2, $0x4, v1  }
0x129: {  	v61 =	vsel vm1, $0xFFFFFFF9, v0;
	vm1 =	vgt.f32 v38, v3;
	v60 =	vld.idx.msk [tilespmem:v57+s2+$0x0], $0xffff;
	v48 =	vor.u32 v50, v48  }
0x12a: {  	v50 =	vsel vm1, $0x8, v1;
	vm1 =	vgt.f32 v35, v45;
	v35 =	vor.u32 $0x1, v48  }
0x12b: {  	v62 =	vld [tilespmem:s12+$0x300];
	vm2 =	vgt.f32 v37, v56;
	v45 =	vsel vm1, $0xFFFFFFF9, v0;
	v57 =	vor.u32 $0x3, v50  }
0x12c: {  	[tilespmem:s15+$0x280] =	vst v44;
	v44 =	vld.idx.msk [tilespmem:v63+s2+$0x0], $0xffff;
	v63 =	vsel vm2, $0xFFFFFFF9, v0;
	v45 =	vadd.s32 v53, v45;
	vm2 =	vgt.f32 v39, v54  }
0x12d: {  	v53 =	vld.idx.msk [tilespmem:v17+s2+$0x0], $0xffff;
	v17 =	vadd.s32 v46, v63;
	v45 =	vcvt.s32.f32 v45;
	v58 =	vsel vm2, $0x4, v1  }
0x12e: {  	v49 =	vld.idx.msk [tilespmem:v47+s2+$0x0], $0xffff;
	vm2 =	vgt.f32 v25, v60;
	v17 =	vcvt.s32.f32 v17;
	v46 =	vor.u32 v59, v58  }
0x12f: {  	v60 =	vadd.s32 v51, v61;
	v61 =	vsel vm2, $0x2, v1;
	[tilespmem:s19+$0x290] =	vst v45;
	v45 =	vor.u32 $0x1, v46;
	v35 =	vld.idx.msk [tilespmem:v35+s2+$0x0], $0xffff  }
0x130: {  	v63 =	vsel vm0, $0xFFFFFFF9, v0;
	v37 =	vcvt.s32.f32 v60;
	v51 =	vor.u32 v61, v19;
	[tilespmem:s12+$0x80] =	vst v17;
	v56 =	vld.idx.msk [tilespmem:v57+s2+$0x0], $0xffff  }
0x131: {  	vm1 =	vgt.f32 v62, v3;
	v42 =	vadd.s32 v42, v63;
	vm0 =	vgt.f32 v40, v44;
	v58 =	vld.idx.msk [tilespmem:v55+s2+$0x0], $0xffff  }
0x132: {  	v42 =	vcvt.s32.f32 v42;
	v17 =	vsel vm1, $0x8, v1;
	[tilespmem:s19+$0x200] =	vst v37;
	v59 =	vsel vm0, $0x2, v1  }
0x133: {  	s25 =	simm.s32 $0xA0;
	s14 =	simm.s32 $0x500;
	vm1 =	vgt.f32 v34, v49;
	v28 =	vld.idx.msk [tilespmem:v28+s2+$0x0], $0xffff;
	vm0 =	vgt.f32 v5, v53;
	v34 =	vor.u32 v59, v52  }
0x134: {  	s3 =	sand.u32 $0x60, s25;
	s26 =	sand.u32 $0x7C00, s14;
	v61 =	vsel vm1, $0xFFFFFFF9, v0;
	v60 =	vsel vm0, $0x4, v1;
	v45 =	vld.idx.msk [tilespmem:v45+s2+$0x0], $0xffff;
	vm0 =	vgt.f32 v41, v35  }
0x135: {  	s13 =	sor.u32 s3, s26;
	v44 =	vadd.s32 v47, v61;
	v63 =	vld.idx.msk [tilespmem:v51+s2+$0x0], $0xffff;
	vm1 =	vgt.f32 v38, v56;
	v35 =	vsel vm0, $0x2, v1  }
0x136: {  	v37 =	vld [tilespmem:s13+$0x90];
	vm0 =	vgt.f32 v32, v58;
	v56 =	vsel vm1, $0x4, v1;
	v48 =	vor.u32 v35, v48  }
0x137: {  	v21 =	vor.u32 v21, v60;
	v57 =	vsel vm0, $0x4, v1;
	v49 =	vor.u32 v50, v56  }
0x138: {  	s24 =	sor.u32 $0x300, s21;
	[tilespmem:s17+$0x300] =	vst v42;
	vm0 =	vgt.f32 v6, v28;
	v28 =	vld.idx.msk [tilespmem:v34+s2+$0x0], $0xffff;
	v50 =	vor.u32 v43, v57;
	v58 =	vor.u32 $0x1, v49  }
0x139: {  	v35 =	vld [tilespmem:s24+$0x80];
	v59 =	vsel vm0, $0x4, v1;
	v60 =	vor.u32 $0x1, v50;
	vm0 =	vgt.f32 v39, v45  }
0x13a: {  	vm1 =	vgt.f32 v25, v63;
	v45 =	vor.u32 v22, v59;
	v22 =	vld [tilespmem:s12+$0x190];
	v25 =	vsel vm0, $0x2, v1  }
0x13b: {  	v54 =	vor.u32 $0x1, v21;
	vm0 =	vgt.f32 v37, v3;
	v46 =	vor.u32 v25, v46;
	v25 =	vld.idx.msk [tilespmem:v48+s2+$0x0], $0xffff  }
0x13c: {  	v43 =	vld [tilespmem:s13+$0x80];
	v61 =	vsel vm1, $0xFFFFFFF9, v0;
	v47 =	vor.u32 $0x1, v45;
	v53 =	vsel vm0, $0x8, v1  }
0x13d: {  	v51 =	vadd.s32 v51, v61;
	v63 =	vor.u32 $0x3, v53;
	vm0 =	vgt.f32 v40, v28;
	v28 =	vld.idx.msk [tilespmem:v58+s2+$0x0], $0xffff  }
0x13e: {  	v42 =	vld [tilespmem:s16+$0x290];
	v51 =	vcvt.s32.f32 v51;
	vm1 =	vgt.f32 v35, v3;
	v59 =	vsel vm0, $0xFFFFFFF9, v0  }
0x13f: {  	v55 =	vsel vm1, $0x8, v1;
	v52 =	vld.idx.msk [tilespmem:v60+s2+$0x0], $0xffff;
	vm0 =	vgt.f32 v22, v3;
	v34 =	vadd.s32 v34, v59  }
0x140: {  	v34 =	vcvt.s32.f32 v34;
	v60 =	vld.idx.msk [tilespmem:v46+s2+$0x0], $0xffff;
	vm1 =	vgt.f32 v41, v25;
	v41 =	vsel vm0, $0x8, v1  }
0x141: {  	vm0 =	vgt.f32 v43, v3;
	v25 =	vsel vm1, $0xFFFFFFF9, v0;
	v57 =	vor.u32 $0x3, v41  }
0x142: {  	[tilespmem:s16+$0x180] =	vst v51;
	v40 =	vld.idx.msk [tilespmem:v63+s2+$0x0], $0xffff;
	vm1 =	vgt.f32 v38, v28;
	v28 =	vsel vm0, $0x8, v1;
	v25 =	vadd.s32 v48, v25  }
0x143: {  	v31 =	vld.idx.msk [tilespmem:v31+s2+$0x0], $0xffff;
	v61 =	vsel vm1, $0x2, v1;
	v51 =	vor.u32 $0x3, v28;
	v63 =	vcvt.s32.f32 v25  }
0x144: {  	v59 =	vor.u32 $0x3, v55;
	v47 =	vld.idx.msk [tilespmem:v47+s2+$0x0], $0xffff;
	[tilespmem:s22+$0x80] =	vst v34;
	s22 =	sor.u32 $0x380, s0;
	vm0 =	vgt.f32 v42, v3;
	v48 =	vor.u32 v61, v49  }
0x145: {  	vm1 =	vgt.f32 v32, v52;
	v25 =	vld [tilespmem:s22+$0x80];
	vm2 =	vgt.f32 v39, v60;
	v39 =	vsel vm0, $0x8, v1;
	[tilespmem:s12+$0x110] =	vst v63  }
0x146: {  	v60 =	vsel vm1, $0x2, v1;
	v61 =	vsel vm2, $0xFFFFFFF9, v0;
	v52 =	vor.u32 $0x3, v39;
	v63 =	vld.idx.msk [tilespmem:v57+s2+$0x0], $0xffff  }
0x147: {  	v50 =	vor.u32 v60, v50;
	vm0 =	vgt.f32 v37, v40;
	v57 =	vadd.s32 v46, v61  }
0x148: {  	vm1 =	vgt.f32 v20, v31;
	v40 =	vsel vm0, $0x4, v1;
	v31 =	vld.idx.msk [tilespmem:v51+s2+$0x0], $0xffff;
	v34 =	vcvt.s32.f32 v57  }
0x149: {  	v58 =	vsel vm1, $0x4, v1;
	vm0 =	vgt.f32 v6, v47;
	v40 =	vor.u32 v53, v40;
	v47 =	vld.idx.msk [tilespmem:v48+s2+$0x0], $0xffff  }
0x14a: {  	v36 =	vor.u32 $0x3, v33;
	v60 =	vld.idx.msk [tilespmem:v54+s2+$0x0], $0xffff;
	v46 =	vor.u32 v30, v58;
	v61 =	vor.u32 $0x1, v40;
	[tilespmem:s16+$0x210] =	vst v34  }
0x14b: {  	v30 =	vsel vm0, $0x2, v1;
	vm0 =	vgt.f32 v25, v3;
	v52 =	vld.idx.msk [tilespmem:v52+s2+$0x0], $0xffff;
	vm1 =	vgt.f32 v22, v63  }
0x14c: {  	v45 =	vor.u32 v30, v45;
	v53 =	vsel vm0, $0x8, v1;
	v30 =	vld.idx.msk [tilespmem:v50+s2+$0x0], $0xffff;
	v63 =	vsel vm1, $0x4, v1  }
0x14d: {  	v57 =	vor.u32 $0x3, v53;
	vm0 =	vgt.f32 v43, v31;
	v31 =	vor.u32 v41, v63  }
0x14e: {  	s4 =	simm.s32 $0x2;
	v56 =	vld.idx.msk [tilespmem:v59+s2+$0x0], $0xffff;
	vm1 =	vgt.f32 v38, v47;
	v59 =	vsel vm0, $0x4, v1;
	v41 =	vor.u32 $0x1, v31  }
0x14f: {  	s0 =	sand.u32 $0x3, s4;
	vm0 =	vgt.f32 v5, v60;
	v60 =	vld.idx.msk [tilespmem:v61+s2+$0x0], $0xffff;
	v47 =	vsel vm1, $0xFFFFFFF9, v0;
	v49 =	vor.u32 v28, v59  }
0x150: {  	s0 =	sshll.u32 s0, $0x5;
	v34 =	vld [tilespmem:s13+$0x100];
	v47 =	vadd.s32 v48, v47;
	v61 =	vor.u32 $0x1, v49;
	vm1 =	vgt.f32 v42, v52  }
0x151: {  	s25 =	sadd.s32 $0x200, s0;
	v28 =	vld [tilespmem:s13+$0x180];
	vm2 =	vgt.f32 v32, v30;
	v30 =	vcvt.s32.f32 v47;
	v63 =	vsel vm1, $0x4, v1  }
0x152: {  	v29 =	vor.u32 $0x3, v26;
	s0 =	sadd.s32 $0x10, s25;
	v51 =	vor.u32 $0x1, v46;
	v47 =	vld.idx.msk [tilespmem:v57+s2+$0x0], $0xffff;
	v39 =	vor.u32 v39, v63  }
0x153: {  	s8 =	sor.u32 $0x300, s0;
	v59 =	vsel vm0, $0x2, v1;
	vm1 =	vgt.f32 v35, v56;
	[tilespmem:s19+$0x310] =	vst v30;
	v52 =	vor.u32 $0x1, v39;
	v54 =	vld.idx.msk [tilespmem:v41+s2+$0x0], $0xffff  }
0x154: {  	v58 =	vsel vm2, $0xFFFFFFF9, v0;
	v56 =	vor.u32 v59, v21;
	vm0 =	vgt.f32 v37, v60;
	v41 =	vld [tilespmem:s8+$0x80]  }
0x155: {  	v21 =	vcvt.s32.f32 v44;
	v50 =	vadd.s32 v50, v58;
	v60 =	vld.idx.msk [tilespmem:v61+s2+$0x0], $0xffff;
	v61 =	vsel vm0, $0x2, v1  }
0x156: {  	v50 =	vcvt.s32.f32 v50;
	vm0 =	vgt.f32 v34, v3;
	v48 =	vor.u32 v61, v40  }
0x157: {  	v63 =	vld.idx.msk [tilespmem:v51+s2+$0x0], $0xffff;
	v30 =	vsel vm1, $0x4, v1;
	v51 =	vsel vm0, $0x8, v1;
	vm0 =	vgt.f32 v28, v3  }
0x158: {  	v30 =	vor.u32 v55, v30;
	[tilespmem:s12+$0x100] =	vst v50;
	v32 =	vsel vm0, $0x8, v1;
	v52 =	vld.idx.msk [tilespmem:v52+s2+$0x0], $0xffff;
	vm0 =	vgt.f32 v22, v54  }
0x159: {  	v50 =	vor.u32 $0x1, v30;
	v40 =	vld.idx.msk [tilespmem:v36+s2+$0x0], $0xffff;
	vm2 =	vgt.f32 v41, v3;
	v59 =	vsel vm0, $0x2, v1  }
0x15a: {  	v38 =	vld [tilespmem:s13+$0x110];
	vm1 =	vgt.f32 v25, v47;
	v47 =	vsel vm2, $0x8, v1;
	v31 =	vor.u32 v59, v31  }
0x15b: {  	vm0 =	vgt.f32 v43, v60;
	v60 =	vsel vm1, $0x4, v1;
	v54 =	vor.u32 $0x3, v47;
	v58 =	vld.idx.msk [tilespmem:v48+s2+$0x0], $0xffff  }
0x15c: {  	v55 =	vor.u32 $0x3, v51;
	v61 =	vsel vm0, $0x2, v1;
	v36 =	vor.u32 v53, v60;
	v53 =	vld.idx.msk [tilespmem:v45+s2+$0x0], $0xffff  }
0x15d: {  	vm0 =	vgt.f32 v20, v63;
	v44 =	vor.u32 v61, v49;
	v49 =	vld.idx.msk [tilespmem:v56+s2+$0x0], $0xffff;
	vm1 =	vgt.f32 v42, v52  }
0x15e: {  	v63 =	vsel vm0, $0x2, v1;
	vm0 =	vgt.f32 v27, v40;
	v40 =	vld [tilespmem:s12+$0x210];
	v61 =	vsel vm1, $0x2, v1  }
0x15f: {  	v46 =	vor.u32 v63, v46;
	v60 =	vsel vm0, $0x4, v1;
	v57 =	vor.u32 v61, v39;
	v63 =	vld.idx.msk [tilespmem:v31+s2+$0x0], $0xffff  }
0x160: {  	vm0 =	vgt.f32 v38, v3;
	v52 =	vor.u32 v33, v60;
	v54 =	vld.idx.msk [tilespmem:v54+s2+$0x0], $0xffff;
	vm1 =	vgt.f32 v37, v58  }
0x161: {  	v37 =	vsel vm0, $0x8, v1;
	vm0 =	vgt.f32 v6, v53;
	v58 =	vsel vm1, $0xFFFFFFF9, v0  }
0x162: {  	v6 =	vld.idx.msk [tilespmem:v44+s2+$0x0], $0xffff;
	v53 =	vor.u32 $0x3, v37;
	vm1 =	vgt.f32 v5, v49;
	v5 =	vor.u32 $0x1, v52  }
0x163: {  	v39 =	vld [tilespmem:s16+$0x310];
	v60 =	vsel vm0, $0xFFFFFFF9, v0;
	vm0 =	vgt.f32 v40, v3;
	v48 =	vadd.s32 v48, v58  }
0x164: {  	v58 =	vsel vm0, $0x8, v1;
	v48 =	vcvt.s32.f32 v48;
	v49 =	vld.idx.msk [tilespmem:v57+s2+$0x0], $0xffff;
	vm2 =	vgt.f32 v22, v63  }
0x165: {  	vm0 =	vgt.f32 v41, v54;
	v63 =	vor.u32 $0x3, v58;
	v61 =	vsel vm2, $0xFFFFFFF9, v0  }
0x166: {  	v45 =	vadd.s32 v45, v60;
	[tilespmem:s13+$0x90] =	vst v48;
	v59 =	vsel vm0, $0x4, v1;
	v31 =	vadd.s32 v31, v61  }
0x167: {  	vm2 =	vgt.f32 v43, v6;
	v53 =	vld.idx.msk [tilespmem:v53+s2+$0x0], $0xffff;
	v43 =	vor.u32 v47, v59;
	v31 =	vcvt.s32.f32 v31  }
0x168: {  	v60 =	vsel vm1, $0xFFFFFFF9, v0;
	vm0 =	vgt.f32 v39, v3;
	v47 =	vld.idx.msk [tilespmem:v46+s2+$0x0], $0xffff;
	v61 =	vor.u32 $0x1, v43  }
0x169: {  	v59 =	vld.idx.msk [tilespmem:v5+s2+$0x0], $0xffff;
	v5 =	vsel vm2, $0xFFFFFFF9, v0;
	vm1 =	vgt.f32 v42, v49;
	v42 =	vsel vm0, $0x8, v1;
	[tilespmem:s12+$0x190] =	vst v31  }
0x16a: {  	v5 =	vadd.s32 v44, v5;
	v31 =	vsel vm1, $0xFFFFFFF9, v0;
	v44 =	vor.u32 $0x3, v42;
	v48 =	vld.idx.msk [tilespmem:v63+s2+$0x0], $0xffff  }
0x16b: {  	v45 =	vcvt.s32.f32 v45;
	v49 =	vld.idx.msk [tilespmem:v50+s2+$0x0], $0xffff;
	v63 =	vcvt.s32.f32 v5;
	v31 =	vadd.s32 v57, v31  }
0x16c: {  	v2 =	vld [tilespmem:s13+$0x280];
	v54 =	vadd.s32 v56, v60;
	vm1 =	vgt.f32 v38, v53;
	v31 =	vcvt.s32.f32 v31  }
0x16d: {  	v60 =	vor.u32 $0x1, v36;
	vm2 =	vgt.f32 v20, v47;
	v20 =	vld.idx.msk [tilespmem:v61+s2+$0x0], $0xffff;
	[tilespmem:s13+$0x80] =	vst v63;
	v61 =	vsel vm1, $0x4, v1  }
0x16e: {  	v50 =	vcvt.s32.f32 v54;
	v63 =	vsel vm2, $0xFFFFFFF9, v0;
	v55 =	vld.idx.msk [tilespmem:v55+s2+$0x0], $0xffff;
	[tilespmem:s16+$0x290] =	vst v31;
	v37 =	vor.u32 v37, v61  }
0x16f: {  	vm1 =	vgt.f32 v27, v59;
	v31 =	vld.idx.msk [tilespmem:v44+s2+$0x0], $0xffff;
	v56 =	vor.u32 $0x1, v37;
	vm2 =	vgt.f32 v40, v48  }
0x170: {  	v4 =	vld [tilespmem:s13+$0x300];
	v57 =	vsel vm1, $0x2, v1;
	vm1 =	vgt.f32 v35, v49;
	v48 =	vsel vm2, $0x4, v1  }
0x171: {  	v22 =	vld [tilespmem:s13+$0x200];
	[tilespmem:s19+$0x280] =	vst v45;
	v46 =	vadd.s32 v46, v63;
	v47 =	vor.u32 v57, v52;
	v48 =	vor.u32 v58, v48  }
0x172: {  	v12 =	vld.idx.msk [tilespmem:v12+s2+$0x0], $0xffff;
	v58 =	vcvt.s32.f32 v46;
	vm2 =	vgt.f32 v41, v20;
	v59 =	vor.u32 $0x1, v48  }
0x173: {  	v49 =	vld.idx.msk [tilespmem:v60+s2+$0x0], $0xffff;
	v20 =	vsel vm1, $0x2, v1;
	v60 =	vsel vm2, $0x2, v1;
	vm1 =	vgt.f32 v34, v55  }
0x174: {  	[tilespmem:s16+$0x200] =	vst v58;
	v45 =	vor.u32 v60, v43;
	v61 =	vsel vm1, $0x4, v1;
	vm1 =	vgt.f32 v39, v31;
	v44 =	vld.idx.msk [tilespmem:v56+s2+$0x0], $0xffff  }
0x175: {  	v52 =	vor.u32 v20, v30;
	v63 =	vld.idx.msk [tilespmem:v24+s2+$0x0], $0xffff;
	v51 =	vor.u32 v51, v61;
	v24 =	vsel vm1, $0x4, v1  }
0x176: {  	v33 =	vor.u32 $0x3, v32;
	[tilespmem:s15+$0x300] =	vst v50;
	v57 =	vld.idx.msk [tilespmem:v47+s2+$0x0], $0xffff;
	v58 =	vor.u32 $0x1, v51;
	v55 =	vor.u32 v42, v24  }
0x177: {  	s26 =	sor.u32 $0x300, s23;
	vm0 =	vgt.f32 v22, v3;
	vm2 =	vgt.f32 v7, v12;
	v42 =	vor.u32 $0x1, v55;
	v46 =	vld.idx.msk [tilespmem:v59+s2+$0x0], $0xffff;
	[tilespmem:$0x1FF50] =	vst v4  }
0x178: {  	v20 =	vsel vm0, $0x8, v1;
	vm0 =	vgt.f32 v2, v3;
	v12 =	vsel vm2, $0x4, v1;
	v30 =	vld [tilespmem:s26+$0x80]  }
0x179: {  	vm1 =	vgt.f32 v4, v3;
	v9 =	vor.u32 v9, v12;
	v59 =	vld.idx.msk [tilespmem:v45+s2+$0x0], $0xffff;
	vm2 =	vgt.f32 v38, v44  }
0x17a: {  	s18 =	simm.s32 $0x600;
	s15 =	simm.s32 $0xC0;
	v24 =	vsel vm0, $0x8, v1;
	v60 =	vld.idx.msk [tilespmem:v52+s2+$0x0], $0xffff;
	v12 =	vsel vm2, $0x2, v1;
	vm2 =	vgt.f32 v8, v63  }
0x17b: {  	s17 =	sand.u32 $0x7C00, s18;
	s3 =	sand.u32 $0x60, s15;
	v61 =	vsel vm2, $0x4, v1;
	vm2 =	vgt.f32 v27, v57;
	v63 =	vld.idx.msk [tilespmem:v58+s2+$0x0], $0xffff;
	v54 =	vor.u32 v12, v37  }
0x17c: {  	s17 =	sor.u32 s3, s17;
	v50 =	vor.u32 v23, v61;
	v23 =	vsel vm2, $0xFFFFFFF9, v0;
	v42 =	vld.idx.msk [tilespmem:v42+s2+$0x0], $0xffff;
	vm2 =	vgt.f32 v40, v46  }
0x17d: {  	v12 =	vld [tilespmem:s17+$0x90];
	v46 =	vor.u32 $0x1, v50;
	v57 =	vsel vm2, $0x2, v1;
	vm2 =	vgt.f32 v30, v3  }
0x17e: {  	v27 =	vsel vm2, $0x8, v1;
	vm2 =	vgt.f32 v41, v59;
	v41 =	vor.u32 v57, v48  }
0x17f: {  	v37 =	vld [tilespmem:s17+$0x80];
	v23 =	vadd.s32 v47, v23;
	v58 =	vsel vm2, $0xFFFFFFF9, v0;
	vm2 =	vgt.f32 v35, v60  }
0x180: {  	v43 =	vld [tilespmem:s13+$0x190];
	v35 =	vsel vm2, $0xFFFFFFF9, v0;
	v59 =	vadd.s32 v45, v58;
	vm2 =	vgt.f32 v34, v63  }
0x181: {  	v45 =	vld.idx.msk [tilespmem:v54+s2+$0x0], $0xffff;
	v44 =	vcvt.s32.f32 v59;
	v47 =	vsel vm2, $0x2, v1;
	vm2 =	vgt.f32 v39, v42  }
0x182: {  	v60 =	vcvt.s32.f32 v23;
	v42 =	vld [tilespmem:s12+$0x290];
	v23 =	vsel vm2, $0x2, v1;
	vm2 =	vgt.f32 v12, v3  }
0x183: {  	vm0 =	vgt.f32 v25, v49;
	[tilespmem:s8+$0x80] =	vst v44;
	v44 =	vor.u32 v23, v55;
	v49 =	vsel vm2, $0x8, v1;
	v61 =	vld.idx.msk [tilespmem:v41+s2+$0x0], $0xffff  }
0x184: {  	v5 =	vsel vm1, $0x8, v1;
	vm2 =	vgt.f32 v37, v3;
	v63 =	vor.u32 $0x3, v49  }
0x185: {  	s31 =	sor.u32 $0x380, s0;
	v35 =	vadd.s32 v52, v35;
	v46 =	vld.idx.msk [tilespmem:v46+s2+$0x0], $0xffff;
	v55 =	vsel vm2, $0x8, v1;
	vm2 =	vgt.f32 v43, v3  }
0x186: {  	[tilespmem:s12+$0x180] =	vst v60;
	v23 =	vld [tilespmem:s31+$0x80];
	v48 =	vsel vm2, $0x8, v1;
	vm2 =	vgt.f32 v38, v45;
	v52 =	vor.u32 $0x3, v55  }
0x187: {  	v29 =	vld.idx.msk [tilespmem:v29+s2+$0x0], $0xffff;
	v38 =	vsel vm2, $0xFFFFFFF9, v0;
	v60 =	vor.u32 $0x3, v48;
	vm2 =	vgt.f32 v42, v3  }
0x188: {  	v38 =	vadd.s32 v54, v38;
	v58 =	vsel vm2, $0x8, v1;
	v54 =	vld.idx.msk [tilespmem:v44+s2+$0x0], $0xffff;
	vm2 =	vgt.f32 v40, v61  }
0x189: {  	v38 =	vcvt.s32.f32 v38;
	v40 =	vsel vm2, $0xFFFFFFF9, v0;
	v61 =	vld.idx.msk [tilespmem:v63+s2+$0x0], $0xffff;
	v63 =	vor.u32 $0x3, v58  }
0x18a: {  	v57 =	vor.u32 $0x1, v9;
	v47 =	vor.u32 v47, v51;
	v40 =	vadd.s32 v41, v40  }
0x18b: {  	vm2 =	vgt.f32 v23, v3;
	[tilespmem:s13+$0x110] =	vst v38;
	v38 =	vor.u32 $0x3, v27;
	v51 =	vld.idx.msk [tilespmem:v52+s2+$0x0], $0xffff;
	v40 =	vcvt.s32.f32 v40  }
0x18c: {  	v41 =	vsel vm2, $0x8, v1;
	vm2 =	vgt.f32 v11, v29;
	v52 =	vcvt.s32.f32 v35;
	v29 =	vld.idx.msk [tilespmem:v60+s2+$0x0], $0xffff  }
0x18d: {  	v60 =	vsel vm2, $0x4, v1;
	vm2 =	vgt.f32 v8, v46;
	v46 =	vor.u32 $0x3, v41;
	[tilespmem:s12+$0x210] =	vst v40  }
0x18e: {  	s3 =	simm.s32 $0x3;
	v35 =	vsel vm2, $0x2, v1;
	vm2 =	vgt.f32 v39, v54;
	v39 =	vor.u32 v26, v60;
	v40 =	vld.idx.msk [tilespmem:v63+s2+$0x0], $0xffff  }
0x18f: {  	s0 =	sand.u32 $0x3, s3;
	v50 =	vor.u32 v35, v50;
	v26 =	vsel vm2, $0xFFFFFFF9, v0;
	vm2 =	vgt.f32 v12, v61;
	v61 =	vld.idx.msk [tilespmem:v57+s2+$0x0], $0xffff  }
0x190: {  	s0 =	sshll.u32 s0, $0x5;
	v63 =	vor.u32 $0x1, v39;
	v26 =	vadd.s32 v44, v26;
	v59 =	vsel vm2, $0x4, v1;
	v38 =	vld.idx.msk [tilespmem:v38+s2+$0x0], $0xffff  }
0x191: {  	s0 =	sadd.s32 $0x300, s0;
	v60 =	vld.idx.msk [tilespmem:v47+s2+$0x0], $0xffff;
	v26 =	vcvt.s32.f32 v26;
	v44 =	vor.u32 v49, v59;
	vm2 =	vgt.f32 v43, v29  }
0x192: {  	s4 =	sadd.s32 $0x10, s0;
	v46 =	vld.idx.msk [tilespmem:v46+s2+$0x0], $0xffff;
	v29 =	vsel vm2, $0x4, v1;
	vm2 =	vgt.f32 v37, v51;
	v49 =	vor.u32 $0x1, v44  }
0x193: {  	s8 =	sor.u32 $0x300, s4;
	v56 =	vsel vm2, $0x4, v1;
	[tilespmem:s16+$0x310] =	vst v26;
	v48 =	vor.u32 v48, v29;
	vm2 =	vgt.f32 v42, v40  }
0x194: {  	v51 =	vor.u32 v55, v56;
	v35 =	vld [tilespmem:s8+$0x80];
	v57 =	vor.u32 $0x1, v48;
	v26 =	vsel vm2, $0x4, v1  }
0x195: {  	vm2 =	vgt.f32 v7, v61;
	v61 =	vld.idx.msk [tilespmem:v63+s2+$0x0], $0xffff;
	v63 =	vor.u32 $0x1, v51;
	vm1 =	vgt.f32 v30, v38  }
0x196: {  	v59 =	vsel vm2, $0x2, v1;
	vm2 =	vgt.f32 v34, v60;
	v53 =	vor.u32 v58, v26  }
0x197: {  	s15 =	sor.u32 $0x380, s21;
	[tilespmem:s24+$0x80] =	vst v52;
	v34 =	vsel vm2, $0xFFFFFFF9, v0;
	vm2 =	vgt.f32 v23, v46;
	v46 =	vld.idx.msk [tilespmem:v49+s2+$0x0], $0xffff;
	v49 =	vor.u32 $0x1, v53  }
0x198: {  	v29 =	vld [tilespmem:s15+$0x80];
	v38 =	vsel vm1, $0x4, v1;
	v52 =	vor.u32 v59, v9;
	v60 =	vsel vm2, $0x4, v1  }
0x199: {  	v9 =	vadd.s32 v47, v34;
	v54 =	vor.u32 v41, v60;
	vm2 =	vgt.f32 v35, v3;
	v41 =	vld.idx.msk [tilespmem:v57+s2+$0x0], $0xffff  }
0x19a: {  	v47 =	vcvt.s32.f32 v9;
	v56 =	vsel vm2, $0x8, v1;
	vm2 =	vgt.f32 v11, v61;
	v40 =	vld.idx.msk [tilespmem:v63+s2+$0x0], $0xffff  }
0x19b: {  	v26 =	vld [tilespmem:s17+$0x100];
	v55 =	vor.u32 $0x1, v54;
	v63 =	vsel vm0, $0x2, v1;
	v61 =	vsel vm2, $0x2, v1  }
0x19c: {  	v57 =	vor.u32 $0x3, v56;
	[tilespmem:s13+$0x100] =	vst v47;
	v47 =	vor.u32 v61, v39;
	vm0 =	vgt.f32 v12, v46;
	v39 =	vld.idx.msk [tilespmem:v49+s2+$0x0], $0xffff  }
0x19d: {  	v18 =	vor.u32 $0x3, v16;
	v38 =	vor.u32 v27, v38;
	v58 =	vld.idx.msk [tilespmem:v33+s2+$0x0], $0xffff;
	v60 =	vsel vm0, $0x2, v1  }
0x19e: {  	v45 =	vld.idx.msk [tilespmem:v50+s2+$0x0], $0xffff;
	v34 =	vor.u32 v63, v36;
	v49 =	vor.u32 v60, v44;
	vm0 =	vgt.f32 v43, v41  }
0x19f: {  	v36 =	vld [tilespmem:s17+$0x110];
	vm1 =	vgt.f32 v37, v40;
	v61 =	vsel vm0, $0x2, v1;
	v40 =	vor.u32 $0x1, v38  }
0x1a0: {  	v27 =	vld.idx.msk [tilespmem:v55+s2+$0x0], $0xffff;
	vm0 =	vgt.f32 v29, v3;
	v59 =	vsel vm1, $0x2, v1;
	v48 =	vor.u32 v61, v48  }
0x1a1: {  	v63 =	vld.idx.msk [tilespmem:v57+s2+$0x0], $0xffff;
	v33 =	vsel vm0, $0x8, v1;
	v51 =	vor.u32 v59, v51;
	vm1 =	vgt.f32 v42, v39  }
0x1a2: {  	v46 =	vld.idx.msk [tilespmem:v52+s2+$0x0], $0xffff;
	vm0 =	vgt.f32 v28, v58;
	v39 =	vsel vm1, $0x2, v1;
	vm1 =	vgt.f32 v26, v3  }
0x1a3: {  	v41 =	vld [tilespmem:s13+$0x210];
	v60 =	vsel vm0, $0x4, v1;
	vm0 =	vgt.f32 v8, v45;
	v53 =	vor.u32 v39, v53  }
0x1a4: {  	v57 =	vld.idx.msk [tilespmem:v49+s2+$0x0], $0xffff;
	v58 =	vsel vm1, $0x8, v1;
	v32 =	vor.u32 v32, v60;
	v8 =	vsel vm0, $0xFFFFFFF9, v0  }
0x1a5: {  	vm1 =	vgt.f32 v23, v27;
	v50 =	vadd.s32 v50, v8;
	v60 =	vor.u32 $0x1, v32;
	v45 =	vld.idx.msk [tilespmem:v48+s2+$0x0], $0xffff  }
0x1a6: {  	v55 =	vld.idx.msk [tilespmem:v47+s2+$0x0], $0xffff;
	vm0 =	vgt.f32 v35, v63;
	v27 =	vsel vm1, $0x2, v1;
	vm1 =	vgt.f32 v36, v3  }
0x1a7: {  	v50 =	vcvt.s32.f32 v50;
	v8 =	vsel vm0, $0x4, v1;
	v59 =	vld.idx.msk [tilespmem:v51+s2+$0x0], $0xffff;
	v39 =	vor.u32 v27, v54  }
0x1a8: {  	v44 =	vld [tilespmem:s12+$0x310];
	vm0 =	vgt.f32 v7, v46;
	v46 =	vsel vm1, $0x8, v1;
	v54 =	vor.u32 v56, v8  }
0x1a9: {  	vm1 =	vgt.f32 v41, v3;
	v7 =	vor.u32 $0x1, v54;
	vm2 =	vgt.f32 v12, v57  }
0x1aa: {  	v8 =	vld.idx.msk [tilespmem:v53+s2+$0x0], $0xffff;
	v61 =	vsel vm2, $0xFFFFFFF9, v0;
	vm2 =	vgt.f32 v43, v45;
	v43 =	vsel vm1, $0x8, v1  }
0x1ab: {  	vm1 =	vgt.f32 v11, v55;
	v55 =	vor.u32 $0x3, v46;
	v49 =	vadd.s32 v49, v61  }
0x1ac: {  	v45 =	vsel vm2, $0xFFFFFFF9, v0;
	vm2 =	vgt.f32 v37, v59;
	v37 =	vld.idx.msk [tilespmem:v60+s2+$0x0], $0xffff;
	v60 =	vcvt.s32.f32 v49  }
0x1ad: {  	v6 =	vld [tilespmem:s17+$0x280];
	v49 =	vor.u32 $0x3, v43;
	v63 =	vsel vm2, $0xFFFFFFF9, v0;
	vm2 =	vgt.f32 v44, v3  }
0x1ae: {  	v4 =	vld [tilespmem:s17+$0x300];
	v45 =	vadd.s32 v48, v45;
	v48 =	vor.u32 $0x3, v58;
	v56 =	vsel vm2, $0x8, v1  }
0x1af: {  	vm2 =	vgt.f32 v42, v8;
	v7 =	vld.idx.msk [tilespmem:v7+s2+$0x0], $0xffff;
	v45 =	vcvt.s32.f32 v45;
	v61 =	vadd.s32 v51, v63  }
0x1b0: {  	v40 =	vld.idx.msk [tilespmem:v40+s2+$0x0], $0xffff;
	[tilespmem:s17+$0x90] =	vst v60;
	v63 =	vsel vm2, $0xFFFFFFF9, v0;
	v57 =	vor.u32 $0x3, v56;
	v42 =	vcvt.s32.f32 v61  }
0x1b1: {  	v61 =	vsel vm1, $0xFFFFFFF9, v0;
	v60 =	vadd.s32 v53, v63;
	[tilespmem:s13+$0x190] =	vst v45;
	vm2 =	vgt.f32 v28, v37;
	v37 =	vld.idx.msk [tilespmem:v55+s2+$0x0], $0xffff  }
0x1b2: {  	[tilespmem:s16+$0x280] =	vst v50;
	v47 =	vadd.s32 v47, v61;
	v55 =	vcvt.s32.f32 v60;
	v49 =	vld.idx.msk [tilespmem:v49+s2+$0x0], $0xffff  }
0x1b3: {  	v50 =	vor.u32 $0x3, v33;
	v15 =	vld.idx.msk [tilespmem:v15+s2+$0x0], $0xffff;
	[tilespmem:s17+$0x80] =	vst v42;
	v47 =	vcvt.s32.f32 v47;
	v63 =	vsel vm2, $0x2, v1  }
0x1b4: {  	v59 =	vsel vm0, $0xFFFFFFF9, v0;
	v32 =	vor.u32 v63, v32;
	vm0 =	vgt.f32 v35, v7;
	v7 =	vld.idx.msk [tilespmem:v48+s2+$0x0], $0xffff;
	[tilespmem:s12+$0x290] =	vst v55  }
0x1b5: {  	vm1 =	vgt.f32 v30, v40;
	v42 =	vadd.s32 v52, v59;
	[tilespmem:s12+$0x200] =	vst v47;
	v60 =	vsel vm0, $0x2, v1;
	v45 =	vld.idx.msk [tilespmem:v57+s2+$0x0], $0xffff  }
0x1b6: {  	v61 =	vsel vm1, $0x2, v1;
	v63 =	vcvt.s32.f32 v42;
	v18 =	vld.idx.msk [tilespmem:v18+s2+$0x0], $0xffff;
	v40 =	vor.u32 v60, v54  }
0x1b7: {  	v9 =	vld [tilespmem:s17+$0x200];
	v47 =	vor.u32 v61, v38;
	vm0 =	vgt.f32 v36, v37;
	vm1 =	vgt.f32 v41, v49  }
0x1b8: {  	v27 =	vld [tilespmem:s17+$0x180];
	v54 =	vsel vm0, $0x4, v1;
	vm0 =	vgt.f32 v10, v15;
	v55 =	vsel vm1, $0x4, v1  }
0x1b9: {  	v15 =	vld.idx.msk [tilespmem:v32+s2+$0x0], $0xffff;
	v38 =	vor.u32 v46, v54;
	vm1 =	vgt.f32 v26, v7;
	v43 =	vor.u32 v43, v55  }
0x1ba: {  	v42 =	vld.idx.msk [tilespmem:v34+s2+$0x0], $0xffff;
	v46 =	vor.u32 $0x1, v38;
	v57 =	vsel vm1, $0x4, v1;
	vm1 =	vgt.f32 v44, v45  }
0x1bb: {  	v49 =	vor.u32 $0x1, v43;
	v45 =	vld.idx.msk [tilespmem:v40+s2+$0x0], $0xffff;
	v59 =	vsel vm1, $0x4, v1;
	vm1 =	vgt.f32 v14, v18  }
0x1bc: {  	v31 =	vor.u32 $0x3, v20;
	v51 =	vld.idx.msk [tilespmem:v39+s2+$0x0], $0xffff;
	v48 =	vor.u32 v58, v57;
	v60 =	vsel vm1, $0x4, v1  }
0x1bd: {  	s1 =	sor.u32 $0x300, s25;
	[tilespmem:s19+$0x300] =	vst v63;
	v7 =	vld.idx.msk [tilespmem:v50+s2+$0x0], $0xffff;
	v18 =	vor.u32 $0x1, v48;
	v50 =	vor.u32 v56, v59;
	v16 =	vor.u32 v16, v60  }
0x1be: {  	v37 =	vld [tilespmem:s1+$0x80];
	vm1 =	vgt.f32 v28, v15;
	v15 =	vor.u32 $0x1, v50;
	v28 =	vsel vm0, $0x4, v1  }
0x1bf: {  	v61 =	vsel vm1, $0xFFFFFFF9, v0;
	v46 =	vld.idx.msk [tilespmem:v46+s2+$0x0], $0xffff;
	v53 =	vor.u32 v13, v28;
	v13 =	vor.u32 $0x1, v16  }
0x1c0: {  	v58 =	vld.idx.msk [tilespmem:v49+s2+$0x0], $0xffff;
	vm1 =	vgt.f32 v25, v42;
	v28 =	vadd.s32 v32, v61;
	vm0 =	vgt.f32 v35, v45  }
0x1c1: {  	v63 =	vld.idx.msk [tilespmem:v47+s2+$0x0], $0xffff;
	v57 =	vor.u32 $0x1, v53;
	v52 =	vcvt.s32.f32 v28;
	v25 =	vsel vm0, $0xFFFFFFF9, v0  }
0x1c2: {  	vm2 =	vgt.f32 v27, v3;
	v18 =	vld.idx.msk [tilespmem:v18+s2+$0x0], $0xffff;
	v25 =	vadd.s32 v40, v25  }
0x1c3: {  	v49 =	vsel vm1, $0xFFFFFFF9, v0;
	vm0 =	vgt.f32 v9, v3;
	[tilespmem:s13+$0x180] =	vst v52;
	v59 =	vld.idx.msk [tilespmem:v15+s2+$0x0], $0xffff;
	v25 =	vcvt.s32.f32 v25  }
0x1c4: {  	v35 =	vsel vm0, $0x8, v1;
	vm0 =	vgt.f32 v6, v3;
	v31 =	vld.idx.msk [tilespmem:v31+s2+$0x0], $0xffff;
	vm1 =	vgt.f32 v36, v46;
	[tilespmem:$0x1FF60] =	vst v6  }
0x1c5: {  	s29 =	simm.s32 $0xE0;
	s30 =	simm.s32 $0x700;
	v6 =	vsel vm0, $0x8, v1;
	vm0 =	vgt.f32 v41, v58;
	v60 =	vld.idx.msk [tilespmem:v13+s2+$0x0], $0xffff;
	v13 =	vsel vm1, $0x2, v1;
	[tilespmem:s8+$0x80] =	vst v25  }
0x1c6: {  	s21 =	sand.u32 $0x60, s29;
	s24 =	sand.u32 $0x7C00, s30;
	v28 =	vsel vm2, $0x8, v1;
	v61 =	vld.idx.msk [tilespmem:v57+s2+$0x0], $0xffff;
	s8 =	sor.u32 $0x380, s4;
	vm1 =	vgt.f32 v4, v3;
	v55 =	vor.u32 v13, v38;
	[tilespmem:$0x1FF70] =	vst v4  }
0x1c7: {  	s21 =	sor.u32 s21, s24;
	v15 =	vmovc v2;
	v13 =	vsel vm0, $0x2, v1;
	vm0 =	vgt.f32 v26, v18;
	v2 =	vsel vm1, $0x8, v1;
	v38 =	vld [tilespmem:s8+$0x80]  }
0x1c8: {  	v32 =	vld [tilespmem:s21+$0x90];
	v45 =	vor.u32 v13, v43;
	v18 =	vsel vm0, $0x2, v1;
	vm0 =	vgt.f32 v44, v59  }
0x1c9: {  	vm1 =	vgt.f32 v37, v3;
	v25 =	vld [tilespmem:s21+$0x80];
	v48 =	vor.u32 v18, v48;
	v18 =	vsel vm0, $0x2, v1  }
0x1ca: {  	v4 =	vor.u32 $0x3, v5;
	v40 =	vld [tilespmem:s17+$0x190];
	vm0 =	vgt.f32 v23, v51;
	v23 =	vor.u32 v18, v50  }
0x1cb: {  	v42 =	vld [tilespmem:s13+$0x290];
	v51 =	vsel vm1, $0x8, v1;
	vm1 =	vgt.f32 v29, v7;
	vm2 =	vgt.f32 v22, v31  }
0x1cc: {  	v50 =	vsel vm0, $0xFFFFFFF9, v0;
	vm0 =	vgt.f32 v30, v63;
	v30 =	vor.u32 $0x3, v51;
	v18 =	vld.idx.msk [tilespmem:v55+s2+$0x0], $0xffff  }
0x1cd: {  	v54 =	vsel vm1, $0x4, v1;
	v56 =	vsel vm2, $0x4, v1;
	vm1 =	vgt.f32 v10, v61;
	v31 =	vld.idx.msk [tilespmem:v45+s2+$0x0], $0xffff  }
0x1ce: {  	v7 =	vsel vm0, $0xFFFFFFF9, v0;
	vm0 =	vgt.f32 v14, v60;
	v57 =	vsel vm1, $0x2, v1;
	v46 =	vld.idx.msk [tilespmem:v48+s2+$0x0], $0xffff  }
0x1cf: {  	vm2 =	vgt.f32 v38, v3;
	v52 =	vsel vm0, $0x2, v1;
	vm1 =	vgt.f32 v25, v3;
	v59 =	vld.idx.msk [tilespmem:v23+s2+$0x0], $0xffff  }
0x1d0: {  	vm0 =	vgt.f32 v32, v3;
	v58 =	vsel vm2, $0x8, v1;
	v60 =	vsel vm1, $0x8, v1  }
0x1d1: {  	[tilespmem:$0x1FF80] =	vst v5;
	vm2 =	vgt.f32 v36, v18;
	v36 =	vsel vm0, $0x8, v1;
	vm0 =	vgt.f32 v40, v3  }
0x1d2: {  	[tilespmem:$0x1FF90] =	vst v4;
	vm3 =	vgt.f32 v41, v31;
	v61 =	vsel vm0, $0x8, v1;
	vm0 =	vgt.f32 v42, v3  }
0x1d3: {  	v30 =	vld.idx.msk [tilespmem:v30+s2+$0x0], $0xffff;
	v31 =	vadd.s32 v34, v49;
	v34 =	vor.u32 $0x3, v36;
	vm1 =	vgt.f32 v26, v46  }
0x1d4: {  	v46 =	vsel vm0, $0x8, v1;
	vm0 =	vgt.f32 v44, v59;
	v44 =	vor.u32 $0x3, v58;
	_ =	sdelay $0x2  }
0x1d5: {  	v19 =	vor.u32 $0x3, v17;
	v33 =	vor.u32 v33, v54;
	v26 =	vsel vm2, $0xFFFFFFF9, v0  }
0x1d6: {  	v52 =	vor.u32 v52, v16;
	v16 =	vadd.s32 v55, v26;
	vm2 =	vgt.f32 v37, v30;
	v30 =	vld.idx.msk [tilespmem:v34+s2+$0x0], $0xffff  }
0x1d7: {  	v4 =	vor.u32 $0x3, v6;
	v54 =	vor.u32 $0x3, v61;
	v16 =	vcvt.s32.f32 v16;
	v44 =	vld.idx.msk [tilespmem:v44+s2+$0x0], $0xffff;
	[tilespmem:$0x1FFA0] =	vst v6  }
0x1d8: {  	v43 =	vor.u32 $0x3, v24;
	v39 =	vadd.s32 v39, v50;
	v63 =	vor.u32 $0x3, v60;
	[tilespmem:$0x1FFB0] =	vst v4  }
0x1d9: {  	v7 =	vadd.s32 v47, v7;
	v47 =	vor.u32 $0x1, v33;
	v26 =	vsel vm3, $0xFFFFFFF9, v0;
	[tilespmem:s17+$0x110] =	vst v16  }
0x1da: {  	v34 =	vor.u32 v57, v53;
	v57 =	vor.u32 $0x3, v46;
	[tilespmem:$0x1FFC0] =	vst v2;
	v2 =	vor.u32 $0x3, v2  }
0x1db: {  	v50 =	vor.u32 v20, v56;
	v26 =	vadd.s32 v45, v26;
	v59 =	vsel vm1, $0xFFFFFFF9, v0;
	[tilespmem:$0x1FFD0] =	vst v2  }
0x1dc: {  	v26 =	vcvt.s32.f32 v26;
	v45 =	vadd.s32 v48, v59;
	v48 =	vor.u32 $0x1, v50;
	v54 =	vld.idx.msk [tilespmem:v54+s2+$0x0], $0xffff  }
0x1dd: {  	v7 =	vcvt.s32.f32 v7;
	v49 =	vor.u32 $0x3, v28;
	v41 =	vcvt.s32.f32 v31;
	v55 =	vld.idx.msk [tilespmem:v63+s2+$0x0], $0xffff  }
0x1de: {  	v63 =	vsel vm2, $0x4, v1;
	[tilespmem:s13+$0x210] =	vst v26;
	vm1 =	vgt.f32 v38, v44;
	v44 =	vcvt.s32.f32 v45;
	v45 =	vld.idx.msk [tilespmem:v47+s2+$0x0], $0xffff  }
0x1df: {  	s24 =	simm.s32 $0x4;
	v31 =	vor.u32 $0x3, v35;
	v53 =	vld.idx.msk [tilespmem:v57+s2+$0x0], $0xffff;
	v51 =	vor.u32 v51, v63;
	v26 =	vsel vm1, $0x4, v1  }
0x1e0: {  	s4 =	sand.u32 $0x3, s24;
	vm1 =	vgt.f32 v32, v30;
	v30 =	vsel vm0, $0xFFFFFFF9, v0;
	v56 =	vor.u32 v58, v26  }
0x1e1: {  	s3 =	sshll.u32 s4, $0x5;
	v47 =	vld.idx.msk [tilespmem:v48+s2+$0x0], $0xffff;
	v26 =	vsel vm1, $0x4, v1;
	[tilespmem:s17+$0x100] =	vst v44;
	v23 =	vadd.s32 v23, v30;
	v30 =	vor.u32 $0x1, v56  }
0x1e2: {  	s3 =	sadd.s32 $0x400, s3;
	v36 =	vor.u32 v36, v26;
	v26 =	vld.idx.msk [tilespmem:v49+s2+$0x0], $0xffff;
	v23 =	vcvt.s32.f32 v23;
	vm0 =	vgt.f32 v40, v54  }
0x1e3: {  	[tilespmem:s26+$0x80] =	vst v7;
	s26 =	sadd.s32 $0x10, s3;
	v49 =	vor.u32 $0x1, v36;
	vm1 =	vgt.f32 v25, v55;
	v58 =	vsel vm0, $0x4, v1  }
0x1e4: {  	v48 =	vld.idx.msk [tilespmem:v52+s2+$0x0], $0xffff;
	s28 =	sor.u32 $0x300, s26;
	vm0 =	vgt.f32 v29, v45;
	v59 =	vsel vm1, $0x4, v1;
	[tilespmem:s12+$0x310] =	vst v23;
	vm1 =	vgt.f32 v42, v53  }
0x1e5: {  	s19 =	sor.u32 $0x380, s23;
	v54 =	vor.u32 v61, v58;
	v55 =	vor.u32 v60, v59;
	v44 =	vld [tilespmem:s28+$0x80];
	v61 =	vsel vm1, $0x4, v1  }
0x1e6: {  	v2 =	vld [tilespmem:s19+$0x80];
	v63 =	vsel vm0, $0x2, v1;
	vm0 =	vgt.f32 v22, v47;
	v23 =	vor.u32 $0x1, v54  }
0x1e7: {  	v53 =	vor.u32 $0x1, v55;
	v58 =	vor.u32 v46, v61;
	v30 =	vld.idx.msk [tilespmem:v30+s2+$0x0], $0xffff;
	vm1 =	vgt.f32 v27, v26  }
0x1e8: {  	v45 =	vor.u32 v63, v33;
	v33 =	vld.idx.msk [tilespmem:v34+s2+$0x0], $0xffff;
	v47 =	vor.u32 $0x1, v58;
	v60 =	vsel vm1, $0x4, v1  }
0x1e9: {  	v59 =	vor.u32 $0x1, v51;
	v61 =	vsel vm0, $0x2, v1;
	v49 =	vld.idx.msk [tilespmem:v49+s2+$0x0], $0xffff;
	v28 =	vor.u32 v28, v60  }
0x1ea: {  	v26 =	vld [tilespmem:s21+$0x100];
	vm1 =	vgt.f32 v14, v48;
	v57 =	vor.u32 $0x1, v28;
	vm0 =	vgt.f32 v44, v3  }
0x1eb: {  	v50 =	vor.u32 v61, v50;
	v61 =	vsel vm1, $0xFFFFFFF9, v0;
	v60 =	vld.idx.msk [tilespmem:v23+s2+$0x0], $0xffff;
	v14 =	vsel vm0, $0x8, v1  }
0x1ec: {  	v52 =	vadd.s32 v52, v61;
	v53 =	vld.idx.msk [tilespmem:v53+s2+$0x0], $0xffff;
	vm0 =	vgt.f32 v38, v30;
	v30 =	vor.u32 $0x3, v14  }
0x1ed: {  	v46 =	vcvt.s32.f32 v39;
	v52 =	vcvt.s32.f32 v52;
	v39 =	vld.idx.msk [tilespmem:v47+s2+$0x0], $0xffff;
	v63 =	vsel vm0, $0x2, v1  }
0x1ee: {  	vm2 =	vgt.f32 v32, v49;
	vm0 =	vgt.f32 v2, v3;
	v48 =	vor.u32 v63, v56;
	v56 =	vld.idx.msk [tilespmem:v59+s2+$0x0], $0xffff  }
0x1ef: {  	v47 =	vsel vm0, $0x8, v1;
	vm0 =	vgt.f32 v10, v33;
	v10 =	vsel vm2, $0x2, v1;
	v33 =	vld.idx.msk [tilespmem:v57+s2+$0x0], $0xffff  }
0x1f0: {  	v49 =	vor.u32 $0x3, v47;
	v10 =	vor.u32 v10, v36;
	v36 =	vld.idx.msk [tilespmem:v50+s2+$0x0], $0xffff;
	vm2 =	vgt.f32 v40, v60  }
0x1f1: {  	vm1 =	vgt.f32 v25, v53;
	v60 =	vsel vm0, $0xFFFFFFF9, v0;
	v63 =	vsel vm2, $0x2, v1;
	v30 =	vld.idx.msk [tilespmem:v30+s2+$0x0], $0xffff  }
0x1f2: {  	v59 =	vsel vm1, $0x2, v1;
	vm1 =	vgt.f32 v42, v39;
	v39 =	vld [tilespmem:s21+$0x110];
	v53 =	vor.u32 v63, v54  }
0x1f3: {  	v23 =	vld [tilespmem:s21+$0x180];
	vm2 =	vgt.f32 v26, v3;
	v34 =	vadd.s32 v34, v60;
	v54 =	vor.u32 v59, v55  }
0x1f4: {  	v61 =	vsel vm1, $0x2, v1;
	v59 =	vsel vm2, $0x8, v1;
	v55 =	vld.idx.msk [tilespmem:v48+s2+$0x0], $0xffff;
	vm0 =	vgt.f32 v27, v33  }
0x1f5: {  	v57 =	vld.idx.msk [tilespmem:v10+s2+$0x0], $0xffff;
	v33 =	vor.u32 v61, v58;
	v63 =	vsel vm0, $0x2, v1;
	vm0 =	vgt.f32 v22, v36  }
0x1f6: {  	vm1 =	vgt.f32 v37, v56;
	v36 =	vld [tilespmem:s17+$0x210];
	v56 =	vor.u32 v63, v28;
	v22 =	vsel vm0, $0xFFFFFFF9, v0  }
0x1f7: {  	v28 =	vsel vm1, $0x2, v1;
	vm0 =	vgt.f32 v44, v30;
	vm2 =	vgt.f32 v39, v3;
	v58 =	vld.idx.msk [tilespmem:v53+s2+$0x0], $0xffff  }
0x1f8: {  	v22 =	vadd.s32 v50, v22;
	v30 =	vsel vm0, $0x4, v1;
	v50 =	vor.u32 v28, v51;
	v60 =	vld.idx.msk [tilespmem:v54+s2+$0x0], $0xffff  }
0x1f9: {  	v28 =	vld [tilespmem:s13+$0x310];
	vm0 =	vgt.f32 v23, v3;
	v14 =	vor.u32 v14, v30;
	vm1 =	vgt.f32 v38, v55  }
0x1fa: {  	v11 =	vsel vm0, $0x8, v1;
	v61 =	vor.u32 $0x1, v14;
	v63 =	vld.idx.msk [tilespmem:v33+s2+$0x0], $0xffff;
	vm0 =	vgt.f32 v32, v57  }
0x1fb: {  	[tilespmem:s12+$0x280] =	vst v52;
	v52 =	vsel vm1, $0xFFFFFFF9, v0;
	v57 =	vsel vm0, $0xFFFFFFF9, v0;
	vm0 =	vgt.f32 v36, v3;
	v32 =	vld.idx.msk [tilespmem:v56+s2+$0x0], $0xffff  }
0x1fc: {  	v22 =	vcvt.s32.f32 v22;
	v48 =	vadd.s32 v48, v52;
	v51 =	vsel vm0, $0x8, v1  }
0x1fd: {  	v19 =	vld.idx.msk [tilespmem:v19+s2+$0x0], $0xffff;
	v10 =	vadd.s32 v10, v57;
	vm1 =	vgt.f32 v40, v58;
	v40 =	vsel vm2, $0x8, v1  }
0x1fe: {  	vm2 =	vgt.f32 v25, v60;
	v60 =	vor.u32 $0x3, v59;
	v10 =	vcvt.s32.f32 v10  }
0x1ff: {  	v58 =	vsel vm1, $0xFFFFFFF9, v0;
	v38 =	vld.idx.msk [tilespmem:v61+s2+$0x0], $0xffff;
	vm1 =	vgt.f32 v42, v63;
	v42 =	vsel vm2, $0xFFFFFFF9, v0  }
0x200: {  	[tilespmem:s13+$0x200] =	vst v22;
	vm2 =	vgt.f32 v28, v3;
	v61 =	vld [tilespmem:s21+$0x200];
	vm0 =	vgt.f32 v27, v32;
	v27 =	vor.u32 $0x3, v40  }
0x201: {  	v58 =	vadd.s32 v53, v58;
	v63 =	vor.u32 $0x3, v51;
	v32 =	vcvt.s32.f32 v34;
	v34 =	vld.idx.msk [tilespmem:v43+s2+$0x0], $0xffff  }
0x202: {  	v4 =	vld [tilespmem:s21+$0x280];
	v55 =	vsel vm2, $0x8, v1;
	vm2 =	vgt.f32 v62, v19;
	v42 =	vadd.s32 v54, v42  }
0x203: {  	v22 =	vld [tilespmem:s21+$0x300];
	v57 =	vsel vm1, $0xFFFFFFF9, v0;
	v43 =	vcvt.s32.f32 v58;
	v54 =	vor.u32 $0x3, v55  }
0x204: {  	[tilespmem:s21+$0x90] =	vst v10;
	v33 =	vadd.s32 v33, v57;
	v57 =	vld.idx.msk [tilespmem:v50+s2+$0x0], $0xffff;
	v42 =	vcvt.s32.f32 v42;
	vm1 =	vgt.f32 v44, v38  }
0x205: {  	s23 =	sor.u32 $0x300, s0;
	v58 =	vsel vm2, $0x4, v1;
	v33 =	vcvt.s32.f32 v33;
	[tilespmem:s16+$0x300] =	vst v32;
	v38 =	vsel vm1, $0x2, v1;
	v27 =	vld.idx.msk [tilespmem:v27+s2+$0x0], $0xffff  }
0x206: {  	[tilespmem:s17+$0x190] =	vst v43;
	vm1 =	vgt.f32 v61, v3;
	v53 =	vor.u32 v38, v14;
	vm2 =	vgt.f32 v15, v34;
	v14 =	vld [tilespmem:s23+$0x80]  }
0x207: {  	v10 =	vld.idx.msk [tilespmem:v45+s2+$0x0], $0xffff;
	[tilespmem:s21+$0x80] =	vst v42;
	v38 =	vor.u32 v17, v58;
	v6 =	vsel vm1, $0x8, v1;
	vm1 =	vgt.f32 v4, v3  }
0x208: {  	[tilespmem:s13+$0x290] =	vst v33;
	v17 =	vld.idx.msk [tilespmem:v63+s2+$0x0], $0xffff;
	v34 =	vsel vm2, $0x4, v1;
	v33 =	vor.u32 $0x3, v6;
	v30 =	vsel vm1, $0x8, v1  }
0x209: {  	v58 =	vor.u32 v24, v34;
	v34 =	vor.u32 $0x3, v11;
	v24 =	vld.idx.msk [tilespmem:v60+s2+$0x0], $0xffff;
	[tilespmem:$0x1FFE0] =	vst v4;
	v32 =	vor.u32 $0x3, v30  }
0x20a: {  	v42 =	vld.idx.msk [tilespmem:v54+s2+$0x0], $0xffff;
	vm2 =	vgt.f32 v39, v27;
	v27 =	vsel vm0, $0xFFFFFFF9, v0;
	vm0 =	vgt.f32 v37, v57  }
0x20b: {  	v57 =	vor.u32 $0x1, v58;
	vm1 =	vgt.f32 v14, v3;
	v43 =	vadd.s32 v56, v27  }
0x20c: {  	v63 =	vld.idx.msk [tilespmem:v53+s2+$0x0], $0xffff;
	v52 =	vsel vm2, $0x4, v1;
	vm2 =	vgt.f32 v29, v10;
	v37 =	vsel vm1, $0x8, v1  }
0x20d: {  	v56 =	vld.idx.msk [tilespmem:v49+s2+$0x0], $0xffff;
	vm1 =	vgt.f32 v36, v17;
	v49 =	vor.u32 v40, v52;
	v43 =	vcvt.s32.f32 v43  }
0x20e: {  	v17 =	vsel vm1, $0x4, v1;
	vm1 =	vgt.f32 v26, v24;
	v24 =	vsel vm0, $0xFFFFFFF9, v0  }
0x20f: {  	v10 =	vor.u32 $0x1, v49;
	vm0 =	vgt.f32 v28, v42;
	v29 =	vsel vm1, $0x4, v1;
	[tilespmem:s17+$0x180] =	vst v43  }
0x210: {  	v42 =	vor.u32 $0x1, v38;
	v52 =	vor.u32 v51, v17;
	v17 =	vadd.s32 v50, v24;
	v54 =	vld.idx.msk [tilespmem:v31+s2+$0x0], $0xffff  }
0x211: {  	v51 =	vor.u32 $0x3, v37;
	v50 =	vor.u32 v59, v29;
	v17 =	vcvt.s32.f32 v17  }
0x212: {  	vm1 =	vgt.f32 v44, v63;
	v63 =	vsel vm0, $0x4, v1;
	[tilespmem:$0x1FFF0] =	vst v3;
	vm0 =	vgt.f32 v2, v56  }
0x213: {  	v56 =	vld.idx.msk [tilespmem:v57+s2+$0x0], $0xffff;
	v57 =	vor.u32 $0x1, v52;
	v44 =	vor.u32 v55, v63;
	v24 =	vsel vm0, $0x4, v1  }
0x214: {  	v55 =	vor.u32 $0x1, v50;
	[tilespmem:s1+$0x80] =	vst v17;
	vm0 =	vgt.f32 v22, v3;
	v63 =	vld.idx.msk [tilespmem:v10+s2+$0x0], $0xffff;
	v29 =	vor.u32 v47, v24  }
0x215: {  	[tilespmem:s20+$0x80] =	vst v21;
	v43 =	vld.idx.msk [tilespmem:v42+s2+$0x0], $0xffff;
	v10 =	vsel vm2, $0xFFFFFFF9, v0;
	v47 =	vor.u32 $0x1, v44;
	vm2 =	vgt.f32 v9, v54  }
0x216: {  	s16 =	sor.u32 $0x380, s25;
	[tilespmem:s22+$0x80] =	vst v41;
	v41 =	vcvt.s32.f32 v48;
	v25 =	vsel vm0, $0x8, v1;
	v40 =	vld.idx.msk [tilespmem:v51+s2+$0x0], $0xffff;
	v21 =	vsel vm2, $0x4, v1  }
0x217: {  	v24 =	vadd.s32 v45, v10;
	v10 =	vld [tilespmem:s16+$0x80];
	v45 =	vor.u32 v35, v21;
	v35 =	vor.u32 $0x1, v29  }
0x218: {  	v13 =	vmovc v9;
	v19 =	vor.u32 $0x3, v25;
	v54 =	vsel vm1, $0xFFFFFFF9, v0;
	vm1 =	vgt.f32 v15, v56;
	v51 =	vld.idx.msk [tilespmem:v57+s2+$0x0], $0xffff  }
0x219: {  	s25 =	sor.u32 $0x300, s3;
	[tilespmem:s31+$0x80] =	vst v46;
	v42 =	vadd.s32 v53, v54;
	v54 =	vld.idx.msk [tilespmem:v55+s2+$0x0], $0xffff;
	vm0 =	vgt.f32 v39, v63;
	v63 =	vsel vm1, $0x2, v1  }
0x21a: {  	v60 =	vmovc v2;
	s20 =	sor.u32 $0x380, s0;
	s22 =	sor.u32 $0x380, s3;
	s31 =	simm.s32 $0x700;
	[tilespmem:s8+$0x80] =	vst v41;
	v42 =	vcvt.s32.f32 v42;
	v48 =	vor.u32 $0x1, v45;
	v46 =	vld.idx.msk [tilespmem:v47+s2+$0x0], $0xffff;
	v41 =	vor.u32 v63, v58  }
.LBB2_2:
0x21b: {  	v17 =	vld [tilespmem:$0x1FFF0]  }
0x21c: {  	s29 =	sadd.s32 $0x20, s29;
	v47 =	vsel vm0, $0x2, v1;
	s30 =	sadd.s32 $0x100, s30;
	s0 =	sor.u32 $0x380, s26;
	vm1 =	vgt.f32 v14, v40;
	v40 =	vld.idx.msk [tilespmem:v35+s2+$0x0], $0xffff;
	[tilespmem:s28+$0x80] =	vst v42  }
0x21d: {  	vm0 =	vgt.f32 v62, v43;
	v24 =	vcvt.s32.f32 v24;
	s1 =	sand.u32 $0x60, s29;
	s3 =	sand.u32 $0x7C00, s30;
	v55 =	vor.u32 v47, v49;
	v47 =	vld [tilespmem:s0+$0x80]  }
0x21e: {  	v56 =	vsel vm0, $0x2, v1;
	v57 =	vsel vm1, $0x4, v1;
	s8 =	sor.u32 s1, s3;
	v43 =	vld [tilespmem:s21+$0x190];
	vm0 =	vgt.f32 v36, v51  }
0x21f: {  	v49 =	vor.u32 v37, v57;
	v51 =	vor.u32 v56, v38;
	v38 =	vld [tilespmem:s8+$0x90];
	v58 =	vsel vm0, $0x2, v1  }
0x220: {  	v37 =	vld [tilespmem:s8+$0x80];
	vm1 =	vgt.f32 v26, v54;
	vm0 =	vgt.f32 v10, v17;
	v56 =	vor.u32 v58, v52  }
0x221: {  	v57 =	vld [tilespmem:s8+$0x100];
	v59 =	vsel vm1, $0x2, v1;
	v35 =	vsel vm0, $0x8, v1;
	vm0 =	vgt.f32 v28, v46  }
0x222: {  	v46 =	vor.u32 v59, v50;
	v50 =	vld.idx.msk [tilespmem:v55+s2+$0x0], $0xffff;
	v63 =	vsel vm0, $0x2, v1;
	vm0 =	vgt.f32 v47, v17  }
0x223: {  	[tilespmem:$0x1FF40] =	vst v6;
	v6 =	vimm.s32 $0xFFFFFFF8;
	v58 =	vor.u32 v63, v44;
	v59 =	vsel vm0, $0x8, v1  }
0x224: {  	vm0 =	vgt.f32 v60, v40;
	v40 =	vld [tilespmem:s17+$0x290];
	vm1 =	vgt.f32 v38, v17;
	v44 =	vor.u32 $0x3, v59  }
0x225: {  	[tilespmem:$0x1FF30] =	vst v60;
	v12 =	vmovc v61;
	v54 =	vsel vm0, $0x2, v1;
	vm0 =	vgt.f32 v37, v17;
	v60 =	vsel vm1, $0x8, v1;
	v61 =	vld.idx.msk [tilespmem:v56+s2+$0x0], $0xffff  }
0x226: {  	v18 =	vmovc v62;
	v42 =	vor.u32 v54, v29;
	v62 =	vsel vm0, $0x8, v1;
	v29 =	vld [tilespmem:s8+$0x180];
	vm0 =	vgt.f32 v43, v17  }
0x227: {  	vm1 =	vgt.f32 v57, v17;
	v63 =	vor.u32 $0x3, v60;
	v2 =	vld.idx.msk [tilespmem:v46+s2+$0x0], $0xffff;
	vm2 =	vgt.f32 v39, v50  }
0x228: {  	v0 =	vor.u32 $0x3, v62;
	v39 =	vsel vm0, $0x8, v1;
	v5 =	vsel vm2, $0xFFFFFFF9, v6;
	v50 =	vld.idx.msk [tilespmem:v58+s2+$0x0], $0xffff  }
0x229: {  	[tilespmem:s15+$0x80] =	vst v24;
	v24 =	vsel vm1, $0x8, v1;
	v9 =	vor.u32 $0x3, v39;
	v5 =	vadd.s32 v55, v5;
	v8 =	vld.idx.msk [tilespmem:v44+s2+$0x0], $0xffff  }
0x22a: {  	vm0 =	vgt.f32 v40, v17;
	v5 =	vcvt.s32.f32 v5;
	vm1 =	vgt.f32 v36, v61  }
0x22b: {  	v54 =	vld [tilespmem:s8+$0x200];
	v36 =	vsel vm0, $0x8, v1;
	vm0 =	vgt.f32 v29, v17;
	v61 =	vsel vm1, $0xFFFFFFF9, v6  }
0x22c: {  	v55 =	vld.idx.msk [tilespmem:v63+s2+$0x0], $0xffff;
	v63 =	vor.u32 $0x3, v36;
	v4 =	vsel vm0, $0x8, v1;
	vm0 =	vgt.f32 v26, v2  }
0x22d: {  	v0 =	vld.idx.msk [tilespmem:v0+s2+$0x0], $0xffff;
	[tilespmem:s21+$0x110] =	vst v5;
	v5 =	vadd.s32 v56, v61;
	v61 =	vsel vm0, $0xFFFFFFF9, v6;
	vm0 =	vgt.f32 v28, v50  }
0x22e: {  	v2 =	vld.idx.msk [tilespmem:v48+s2+$0x0], $0xffff;
	v5 =	vcvt.s32.f32 v5;
	v46 =	vadd.s32 v46, v61;
	vm1 =	vgt.f32 v47, v8  }
0x22f: {  	v9 =	vld.idx.msk [tilespmem:v9+s2+$0x0], $0xffff;
	v28 =	vsel vm0, $0xFFFFFFF9, v6;
	v8 =	vcvt.s32.f32 v46;
	v61 =	vsel vm1, $0x4, v1  }
0x230: {  	v26 =	vmov v57;
	v57 =	vld [tilespmem:s8+$0x280];
	v28 =	vadd.s32 v58, v28;
	[tilespmem:s17+$0x210] =	vst v5;
	v56 =	vor.u32 v59, v61  }
0x231: {  	s24 =	sadd.s32 $0x1, s24;
	s15 =	smov.u32 s19;
	s19 =	smov.u32 s16;
	v5 =	vld.idx.msk [tilespmem:v41+s2+$0x0], $0xffff;
	vm0 =	vgt.f32 v38, v55;
	[tilespmem:s21+$0x100] =	vst v8;
	v8 =	vcvt.s32.f32 v28;
	v28 =	vor.u32 $0x1, v56  }
0x232: {  	s16 =	smov.u32 s20;
	s20 =	smov.u32 s22;
	s22 =	sand.u32 $0x3, s24;
	v55 =	vld.idx.msk [tilespmem:v63+s2+$0x0], $0xffff;
	v63 =	vsel vm0, $0x4, v1  }
0x233: {  	v53 =	vor.u32 $0x1, v49;
	s1 =	sshll.u32 s22, $0x5;
	v58 =	vld [tilespmem:s8+$0x300];
	vm0 =	vgt.f32 v37, v0;
	v0 =	vor.u32 v60, v63  }
0x234: {  	s26 =	sadd.s32 s1, s14;
	v59 =	vld.idx.msk [tilespmem:v34+s2+$0x0], $0xffff;
	v60 =	vor.u32 $0x1, v0  }
0x235: {  	s1 =	sor.u32 $0x300, s26;
	s22 =	sor.u32 $0x380, s26;
	s26 =	sadd.s32 $0x10, s26;
	v48 =	vor.u32 $0x3, v4;
	v50 =	vsel vm0, $0x4, v1;
	vm0 =	vgt.f32 v43, v9;
	[tilespmem:s13+$0x310] =	vst v8;
	v8 =	vld.idx.msk [tilespmem:v51+s2+$0x0], $0xffff  }
0x236: {  	s28 =	sor.u32 $0x300, s26;
	v9 =	vor.u32 v62, v50;
	v61 =	vsel vm0, $0x4, v1;
	vm0 =	vgt.f32 v13, v2;
	v2 =	vld.idx.msk [tilespmem:v28+s2+$0x0], $0xffff  }
0x237: {  	vm1 =	vgt.f32 v54, v17;
	v34 =	vmov v48;
	v48 =	vld [tilespmem:s28+$0x80];
	v62 =	vor.u32 $0x1, v9  }
0x238: {  	v46 =	vsel vm1, $0x8, v1;
	v39 =	vor.u32 v39, v61;
	v61 =	vld.idx.msk [tilespmem:v53+s2+$0x0], $0xffff;
	vm1 =	vgt.f32 v40, v55  }
0x239: {  	vm2 =	vgt.f32 v57, v17;
	v53 =	vsel vm1, $0x4, v1;
	vm1 =	vgt.f32 v15, v5;
	v55 =	vld.idx.msk [tilespmem:v60+s2+$0x0], $0xffff  }
0x23a: {  	v36 =	vor.u32 v36, v53;
	v15 =	vsel vm1, $0xFFFFFFF9, v6;
	vm1 =	vgt.f32 v18, v8;
	v18 =	vld [tilespmem:$0x1FF50]  }
0x23b: {  	v53 =	vsel vm2, $0x8, v1;
	v60 =	vor.u32 $0x1, v36;
	vm2 =	vgt.f32 v47, v2;
	v2 =	vld [tilespmem:$0x1FF60]  }
0x23c: {  	v62 =	vld.idx.msk [tilespmem:v62+s2+$0x0], $0xffff  }
0x23d: {  	v28 =	vsel vm0, $0x2, v1;
	vm0 =	vgt.f32 v23, v59  }
0x23e: {  	v52 =	vor.u32 $0x3, v35;
	v59 =	vsel vm0, $0x4, v1;
	vm0 =	vgt.f32 v48, v17  }
0x23f: {  	v59 =	vor.u32 v11, v59;
	v11 =	vsel vm0, $0x8, v1;
	vm0 =	vgt.f32 v58, v17  }
0x240: {  	v20 =	vmov v2;
	v2 =	vsel vm0, $0x8, v1;
	vm0 =	vgt.f32 v38, v55;
	v55 =	vld.idx.msk [tilespmem:v60+s2+$0x0], $0xffff  }
0x241: {  	v63 =	vor.u32 $0x1, v39;
	v60 =	vsel vm0, $0x2, v1;
	vm0 =	vgt.f32 v37, v62;
	v62 =	vmovc v18;
	v18 =	vld [tilespmem:$0x1FF90]  }
0x242: {  	v28 =	vor.u32 v28, v45  }
0x243: {  	v27 =	vmov v19;
	v19 =	vld [tilespmem:$0x1FFE0];
	v7 =	vor.u32 $0x1, v59  }
0x244: {  	v52 =	vld.idx.msk [tilespmem:v52+s2+$0x0], $0xffff  }
0x245: {  	v45 =	vld.idx.msk [tilespmem:v42+s2+$0x0], $0xffff;
	v15 =	vadd.s32 v41, v15  }
0x246: {  	v63 =	vld.idx.msk [tilespmem:v63+s2+$0x0], $0xffff;
	v15 =	vcvt.s32.f32 v15  }
0x247: {  	v5 =	vld.idx.msk [tilespmem:v28+s2+$0x0], $0xffff  }
0x248: {  	v16 =	vsel vm2, $0x2, v1;
	v7 =	vld.idx.msk [tilespmem:v7+s2+$0x0], $0xffff;
	[tilespmem:s13+$0x280] =	vst v15  }
0x249: {  	v16 =	vor.u32 v16, v56;
	v56 =	vld.idx.msk [tilespmem:v18+s2+$0x0], $0xffff  }
0x24a: {  	v18 =	vld [tilespmem:$0x1FF70];
	_ =	sdelay $0x1  }
0x24b: {  	v3 =	vmovc v10;
	v10 =	vmov v22;
	v22 =	vmov v19;
	v19 =	vmov v57  }
0x24c: {  	v21 =	vmovc v25;
	v25 =	vmovc v13;
	v13 =	vor.u32 $0x3, v11;
	v8 =	vsel vm0, $0x2, v1;
	vm0 =	vgt.f32 v43, v63  }
0x24d: {  	v8 =	vor.u32 v8, v9;
	v9 =	vsel vm0, $0x2, v1;
	vm0 =	vgt.f32 v25, v5  }
0x24e: {  	[tilespmem:$0x1FFE0] =	vst v19;
	v19 =	vmov v18;
	v18 =	vsel vm0, $0xFFFFFFF9, v6  }
0x24f: {  	v18 =	vadd.s32 v28, v18  }
0x250: {  	[tilespmem:$0x1FF60] =	vst v22;
	v22 =	vmovc v58;
	v15 =	vsel vm1, $0xFFFFFFF9, v6;
	v0 =	vor.u32 v60, v0;
	v58 =	vcvt.s32.f32 v18;
	v18 =	vld [tilespmem:$0x1FFD0]  }
0x251: {  	v15 =	vadd.s32 v51, v15  }
0x252: {  	v13 =	vld.idx.msk [tilespmem:v13+s2+$0x0], $0xffff;
	v5 =	vcvt.s32.f32 v15  }
0x253: {  	v15 =	vld.idx.msk [tilespmem:v16+s2+$0x0], $0xffff  }
0x254: {  	v9 =	vor.u32 v9, v39;
	v39 =	vld [tilespmem:s8+$0x110];
	[tilespmem:s12+$0x300] =	vst v5  }
0x255: {  	vm1 =	vgt.f32 v14, v61;
	v57 =	vld.idx.msk [tilespmem:v0+s2+$0x0], $0xffff;
	[tilespmem:$0x1FF50] =	vst v19;
	v19 =	vmov v10;
	v10 =	vmov v18  }
0x256: {  	v5 =	vsel vm1, $0x2, v1;
	vm0 =	vgt.f32 v40, v55;
	[tilespmem:$0x1FF90] =	vst v10;
	v10 =	vld [tilespmem:$0x1FFB0]  }
0x257: {  	s12 =	smov.u32 s13;
	s13 =	smov.u32 s17;
	s17 =	smov.u32 s21;
	vm1 =	vgt.f32 v23, v7;
	v28 =	vsel vm0, $0x2, v1;
	vm0 =	vgt.f32 v48, v13;
	v13 =	vld [tilespmem:s25+$0x80]  }
0x258: {  	v41 =	vor.u32 $0x3, v2;
	v55 =	vor.u32 v28, v36;
	v36 =	vld [tilespmem:s17+$0x210];
	v28 =	vsel vm1, $0x2, v1  }
0x259: {  	v5 =	vor.u32 v5, v49;
	v7 =	vsel vm0, $0x4, v1;
	v49 =	vor.u32 v28, v59;
	v28 =	vld [tilespmem:s13+$0x310];
	[tilespmem:$0x1FF70] =	vst v19  }
0x25a: {  	v7 =	vor.u32 v11, v7;
	[tilespmem:s13+$0x200] =	vst v58;
	v19 =	vmov v41;
	v41 =	vld.idx.msk [tilespmem:v9+s2+$0x0], $0xffff;
	v18 =	vmov v27  }
0x25b: {  	vm1 =	vgt.f32 v47, v15;
	v60 =	vor.u32 $0x1, v7;
	[tilespmem:$0x1FFD0] =	vst v18;
	v18 =	vld [tilespmem:$0x1FFC0]  }
0x25c: {  	vm0 =	vgt.f32 v62, v56;
	v47 =	vsel vm1, $0xFFFFFFF9, v6;
	v11 =	vld.idx.msk [tilespmem:v8+s2+$0x0], $0xffff  }
0x25d: {  	v15 =	vsel vm0, $0x4, v1;
	vm0 =	vgt.f32 v38, v57;
	v16 =	vadd.s32 v16, v47;
	v56 =	vld.idx.msk [tilespmem:v55+s2+$0x0], $0xffff  }
0x25e: {  	v31 =	vmovc v4;
	v4 =	vor.u32 $0x3, v53;
	v63 =	vmovc v12;
	v38 =	vsel vm0, $0xFFFFFFF9, v6;
	v12 =	vcvt.s32.f32 v16;
	v57 =	vld.idx.msk [tilespmem:v10+s2+$0x0], $0xffff  }
0x25f: {  	vm2 =	vgt.f32 v39, v17;
	v0 =	vadd.s32 v0, v38;
	v10 =	vmovc v32;
	v32 =	vmov v4;
	v4 =	vld [tilespmem:$0x1FF80]  }
0x260: {  	v51 =	vsel vm2, $0x8, v1;
	v0 =	vcvt.s32.f32 v0;
	v59 =	vld.idx.msk [tilespmem:v60+s2+$0x0], $0xffff;
	[tilespmem:s0+$0x80] =	vst v12;
	vm1 =	vgt.f32 v43, v41;
	v16 =	vmovc v18  }
0x261: {  	s21 =	smov.u32 s8;
	v47 =	vor.u32 $0x3, v51;
	[tilespmem:$0x1FF80] =	vst v16;
	v16 =	vsel vm1, $0xFFFFFFF9, v6  }
0x262: {  	[tilespmem:s21+$0x90] =	vst v0;
	v0 =	vadd.s32 v9, v16  }
0x263: {  	vm0 =	vgt.f32 v36, v17;
	vm1 =	vgt.f32 v40, v56;
	v0 =	vcvt.s32.f32 v0  }
0x264: {  	v38 =	vor.u32 v4, v15;
	v15 =	vsel vm0, $0x8, v1;
	vm0 =	vgt.f32 v37, v11;
	v11 =	vld.idx.msk [tilespmem:v49+s2+$0x0], $0xffff  }
0x265: {  	v25 =	vmovc v2;
	v60 =	vor.u32 $0x3, v15;
	v2 =	vsel vm0, $0xFFFFFFF9, v6;
	vm0 =	vgt.f32 v28, v17  }
0x266: {  	v9 =	vld.idx.msk [tilespmem:v47+s2+$0x0], $0xffff;
	v16 =	vsel vm0, $0x8, v1;
	v2 =	vadd.s32 v8, v2;
	v8 =	vsel vm1, $0xFFFFFFF9, v6  }
0x267: {  	[tilespmem:s17+$0x190] =	vst v0;
	vm0 =	vgt.f32 v20, v57;
	v2 =	vcvt.s32.f32 v2;
	v0 =	vadd.s32 v55, v8  }
0x268: {  	v61 =	vmovc v54;
	v4 =	vld.idx.msk [tilespmem:v5+s2+$0x0], $0xffff;
	v54 =	vsel vm0, $0x4, v1;
	vm0 =	vgt.f32 v48, v59;
	v0 =	vcvt.s32.f32 v0  }
0x269: {  	v44 =	vor.u32 $0x3, v24;
	[tilespmem:s21+$0x80] =	vst v2;
	vm1 =	vgt.f32 v23, v11;
	v2 =	vld [tilespmem:$0x1FFA0];
	v11 =	vsel vm0, $0x2, v1  }
0x26a: {  	v47 =	vor.u32 $0x3, v16;
	v8 =	vld.idx.msk [tilespmem:v60+s2+$0x0], $0xffff;
	v55 =	vsel vm1, $0xFFFFFFF9, v6;
	[tilespmem:s13+$0x290] =	vst v0;
	v0 =	vor.u32 v11, v7;
	v7 =	vmovc v30  }
0x26b: {  	vm0 =	vgt.f32 v39, v9;
	[tilespmem:$0x1FFA0] =	vst v7;
	v7 =	vadd.s32 v49, v55  }
0x26c: {  	v57 =	vsel vm0, $0x4, v1;
	vm0 =	vgt.f32 v13, v17;
	v7 =	vcvt.s32.f32 v7  }
0x26d: {  	v11 =	vor.u32 $0x1, v38;
	v37 =	vsel vm0, $0x8, v1  }
0x26e: {  	v23 =	vmov v29;
	v29 =	vld.idx.msk [tilespmem:v44+s2+$0x0], $0xffff;
	v2 =	vor.u32 v2, v54;
	[tilespmem:s17+$0x180] =	vst v7;
	v7 =	vor.u32 $0x3, v37  }
0x26f: {  	v9 =	vld.idx.msk [tilespmem:v47+s2+$0x0], $0xffff;
	v56 =	vor.u32 $0x1, v2  }
0x270: {  	vm0 =	vgt.f32 v14, v4;
	v14 =	vmov v13;
	v13 =	vld.idx.msk [tilespmem:v0+s2+$0x0], $0xffff  }
0x271: {  	v58 =	vsel vm0, $0xFFFFFFF9, v6;
	v59 =	vld.idx.msk [tilespmem:v33+s2+$0x0], $0xffff  }
0x272: {  	v5 =	vadd.s32 v5, v58;
	v43 =	vld.idx.msk [tilespmem:v11+s2+$0x0], $0xffff  }
0x273: {  	v49 =	vor.u32 v51, v57;
	v5 =	vcvt.s32.f32 v5;
	v40 =	vld.idx.msk [tilespmem:v7+s2+$0x0], $0xffff  }
0x274: {  	v50 =	vor.u32 $0x3, v46;
	v4 =	vor.u32 $0x1, v49;
	vm1 =	vgt.f32 v36, v8;
	v41 =	vld.idx.msk [tilespmem:v56+s2+$0x0], $0xffff  }
0x275: {  	vm0 =	vgt.f32 v3, v52;
	v8 =	vsel vm1, $0x4, v1;
	vm1 =	vgt.f32 v26, v29;
	[tilespmem:s23+$0x80] =	vst v5;
	v5 =	vld [tilespmem:$0x1FF30]  }
0x276: {  	v52 =	vor.u32 v15, v8;
	v8 =	vsel vm1, $0x4, v1;
	vm1 =	vgt.f32 v28, v9  }
0x277: {  	v33 =	vmovc v50;
	v15 =	vor.u32 $0x1, v52;
	v50 =	vor.u32 v24, v8;
	v8 =	vsel vm1, $0x4, v1  }
0x278: {  	v60 =	vmovc v3;
	v3 =	vld [tilespmem:$0x1FF40];
	v9 =	vor.u32 $0x1, v50;
	v44 =	vor.u32 v16, v8;
	v8 =	vsel vm0, $0x4, v1  }
0x279: {  	p0 =	slt.u32 s29, $0xFE0;
	v18 =	vmovc v21;
	v4 =	vld.idx.msk [tilespmem:v4+s2+$0x0], $0xffff;
	v11 =	vor.u32 $0x1, v44;
	v29 =	vor.u32 v35, v8;
	vm1 =	vgt.f32 v48, v13  }
.Ltmp0:
0x27a: {  	[tilespmem:$0x1FFC0] =	vst v18;
	v35 =	vor.u32 $0x1, v29;
	v7 =	vsel vm1, $0xFFFFFFF9, v6;
	vm0 =	vgt.f32 v5, v45;
	(pc) =	sbr.rel @p0 .LBB2_2-.Ltmp0, $4  }
0x27b: {  	[tilespmem:$0x1FFB0] =	vst v10;
	v30 =	vmovc v53;
	v10 =	vld [tilespmem:s16+$0x80];
	v0 =	vadd.s32 v0, v7;
	v5 =	vsel vm0, $0xFFFFFFF9, v6;
	vm0 =	vgt.f32 v63, v59  }
0x27c: {  	v13 =	vmovc v63;
	v51 =	vld.idx.msk [tilespmem:v15+s2+$0x0], $0xffff;
	v24 =	vadd.s32 v42, v5;
	v5 =	vsel vm0, $0x4, v1;
	vm0 =	vgt.f32 v20, v41  }
0x27d: {  	s14 =	smov.u32 s18;
	s18 =	smov.u32 s31;
	v15 =	vmovc v20;
	v54 =	vld.idx.msk [tilespmem:v9+s2+$0x0], $0xffff;
	v6 =	vmovc v46;
	v42 =	vcvt.s32.f32 v0;
	v45 =	vor.u32 v3, v5;
	v5 =	vsel vm0, $0x2, v1  }
0x27e: {  	s31 =	smov.u32 s30;
	s23 =	smov.u32 s25;
	s25 =	smov.u32 s1;
	v46 =	vld.idx.msk [tilespmem:v11+s2+$0x0], $0xffff;
	v11 =	vmovc v31;
	vm0 =	vgt.f32 v39, v4;
	v48 =	vor.u32 $0x1, v45;
	v41 =	vor.u32 v5, v2  }
0x27f: {  	v0 =	vsel vm0, $0x2, v1  }
0x280: {  	v0 =	vor.u32 v0, v49;
	_ =	sdelay $0x2  }
0x281: {  	v4 =	vld [tilespmem:s21+$0x190]  }
0x282: {  	v3 =	vld [tilespmem:$0x1FFF0]  }
0x283: {  	v5 =	vld.idx.msk [tilespmem:v0+s2+$0x0], $0xffff;
	_ =	sdelay $0x1  }
0x284: {  	vm7 =	vgt.f32 v26, v54  }
0x285: {  	v2 =	vsel vm7, $0x2, v1  }
0x286: {  	v2 =	vor.u32 v2, v50;
	vm8 =	vgt.f32 v4, v3  }
0x287: {  	v57 =	vsel vm8, $0x8, v1;
	vm1 =	vgt.f32 v39, v5;
	v39 =	vimm.s32 $0xFFFFFFF8  }
0x288: {  	v9 =	vor.u32 $0x3, v57;
	v8 =	vsel vm1, $0xFFFFFFF9, v39  }
0x289: {  	v0 =	vadd.s32 v0, v8  }
0x28a: {  	v0 =	vcvt.s32.f32 v0;
	_ =	sdelay $0x1  }
0x28b: {  	v7 =	vld.idx.msk [tilespmem:v2+s2+$0x0], $0xffff;
	[tilespmem:s21+$0x110] =	vst v0  }
0x28c: {  	v58 =	vld.idx.msk [tilespmem:v9+s2+$0x0], $0xffff;
	_ =	sdelay $0x3  }
0x28d: {  	vm9 =	vgt.f32 v26, v7  }
0x28e: {  	v0 =	vsel vm9, $0xFFFFFFF9, v39;
	vm10 =	vgt.f32 v4, v58  }
0x28f: {  	v0 =	vadd.s32 v2, v0;
	v2 =	vsel vm10, $0x4, v1  }
0x290: {  	v0 =	vcvt.s32.f32 v0;
	v2 =	vor.u32 v57, v2  }
0x291: {  	v5 =	vor.u32 $0x1, v2  }
0x292: {  	[tilespmem:s21+$0x100] =	vst v0  }
0x293: {  	v0 =	vld.idx.msk [tilespmem:v34+s2+$0x0], $0xffff;
	_ =	sdelay $0x2  }
0x294: {  	v5 =	vld.idx.msk [tilespmem:v5+s2+$0x0], $0xffff;
	_ =	sdelay $0x1  }
0x295: {  	vm11 =	vgt.f32 v23, v0  }
0x296: {  	v0 =	vsel vm11, $0x4, v1  }
0x297: {  	v0 =	vor.u32 v11, v0  }
0x298: {  	v59 =	vor.u32 $0x1, v0;
	vm12 =	vgt.f32 v4, v5  }
0x299: {  	v5 =	vsel vm12, $0x2, v1  }
0x29a: {  	v2 =	vor.u32 v5, v2;
	_ =	sdelay $0x2  }
0x29b: {  	v7 =	vld.idx.msk [tilespmem:v59+s2+$0x0], $0xffff  }
0x29c: {  	v63 =	vld [tilespmem:s21+$0x210]  }
0x29d: {  	v12 =	vld.idx.msk [tilespmem:v2+s2+$0x0], $0xffff;
	_ =	sdelay $0x2  }
0x29e: {  	vm13 =	vgt.f32 v23, v7  }
0x29f: {  	vm14 =	vgt.f32 v63, v3;
	v7 =	vsel vm13, $0x2, v1  }
0x2a0: {  	v16 =	vsel vm14, $0x8, v1;
	v0 =	vor.u32 v7, v0;
	vm15 =	vgt.f32 v4, v12  }
0x2a1: {  	v17 =	vor.u32 $0x3, v16;
	v8 =	vsel vm15, $0xFFFFFFF9, v39  }
0x2a2: {  	v2 =	vadd.s32 v2, v8  }
0x2a3: {  	v2 =	vcvt.s32.f32 v2;
	_ =	sdelay $0x1  }
0x2a4: {  	v7 =	vld.idx.msk [tilespmem:v0+s2+$0x0], $0xffff;
	[tilespmem:s21+$0x190] =	vst v2  }
0x2a5: {  	v2 =	vld.idx.msk [tilespmem:v17+s2+$0x0], $0xffff;
	_ =	sdelay $0x3  }
0x2a6: {  	vm4 =	vgt.f32 v23, v7  }
0x2a7: {  	v7 =	vsel vm4, $0xFFFFFFF9, v39;
	vm5 =	vgt.f32 v63, v2  }
0x2a8: {  	v0 =	vadd.s32 v0, v7;
	v2 =	vsel vm5, $0x4, v1  }
0x2a9: {  	v0 =	vcvt.s32.f32 v0;
	v2 =	vor.u32 v16, v2  }
0x2aa: {  	v4 =	vor.u32 $0x1, v2  }
0x2ab: {  	v21 =	vld.idx.msk [tilespmem:v48+s2+$0x0], $0xffff;
	[tilespmem:s21+$0x180] =	vst v0  }
0x2ac: {  	v0 =	vld.idx.msk [tilespmem:v33+s2+$0x0], $0xffff;
	_ =	sdelay $0x2  }
0x2ad: {  	v4 =	vld.idx.msk [tilespmem:v4+s2+$0x0], $0xffff;
	_ =	sdelay $0x1  }
0x2ae: {  	vm9 =	vgt.f32 v13, v21;
	vm6 =	vgt.f32 v61, v0  }
0x2af: {  	v9 =	vsel vm9, $0x2, v1;
	v0 =	vsel vm6, $0x4, v1  }
0x2b0: {  	v31 =	vor.u32 v9, v45;
	v0 =	vor.u32 v6, v0  }
0x2b1: {  	v18 =	vor.u32 $0x1, v0;
	vm8 =	vgt.f32 v63, v4  }
0x2b2: {  	vm7 =	vgt.f32 v36, v51;
	v26 =	vsel vm8, $0x2, v1  }
0x2b3: {  	v20 =	vsel vm7, $0x2, v1;
	v2 =	vor.u32 v26, v2  }
0x2b4: {  	v8 =	vor.u32 v20, v52  }
0x2b5: {  	v49 =	vld.idx.msk [tilespmem:v31+s2+$0x0], $0xffff  }
0x2b6: {  	v23 =	vld.idx.msk [tilespmem:v18+s2+$0x0], $0xffff  }
0x2b7: {  	v7 =	vld [tilespmem:s17+$0x290]  }
0x2b8: {  	v45 =	vld.idx.msk [tilespmem:v2+s2+$0x0], $0xffff  }
0x2b9: {  	v27 =	vld.idx.msk [tilespmem:v8+s2+$0x0], $0xffff;
	_ =	sdelay $0x1  }
0x2ba: {  	v17 =	vmov v13;
	v33 =	vld [tilespmem:s21+$0x290];
	vm10 =	vgt.f32 v61, v23  }
0x2bb: {  	vm15 =	vgt.f32 v17, v49;
	v34 =	vsel vm10, $0x2, v1  }
0x2bc: {  	vm11 =	vgt.f32 v7, v3;
	v0 =	vor.u32 v34, v0;
	vm14 =	vgt.f32 v63, v45  }
0x2bd: {  	vm12 =	vgt.f32 v36, v27;
	v47 =	vsel vm11, $0x8, v1;
	v52 =	vsel vm14, $0xFFFFFFF9, v39  }
0x2be: {  	v48 =	vsel vm12, $0xFFFFFFF9, v39;
	v16 =	vor.u32 $0x3, v47;
	v2 =	vadd.s32 v2, v52  }
0x2bf: {  	v8 =	vadd.s32 v8, v48;
	vm13 =	vgt.f32 v33, v3;
	v2 =	vcvt.s32.f32 v2  }
0x2c0: {  	v13 =	vsel vm15, $0xFFFFFFF9, v39;
	v8 =	vcvt.s32.f32 v8;
	v50 =	vsel vm13, $0x8, v1  }
0x2c1: {  	v53 =	vor.u32 $0x3, v50;
	v51 =	vld.idx.msk [tilespmem:v0+s2+$0x0], $0xffff;
	[tilespmem:s21+$0x210] =	vst v2;
	v2 =	vadd.s32 v31, v13  }
0x2c2: {  	[tilespmem:s17+$0x210] =	vst v8;
	v2 =	vcvt.s32.f32 v2  }
0x2c3: {  	v8 =	vld.idx.msk [tilespmem:v16+s2+$0x0], $0xffff  }
0x2c4: {  	[tilespmem:s17+$0x200] =	vst v2  }
0x2c5: {  	v56 =	vld [tilespmem:$0x1FFB0]  }
0x2c6: {  	vm4 =	vgt.f32 v61, v51;
	v54 =	vld.idx.msk [tilespmem:v53+s2+$0x0], $0xffff  }
0x2c7: {  	v55 =	vsel vm4, $0xFFFFFFF9, v39  }
0x2c8: {  	vm5 =	vgt.f32 v7, v8;
	v0 =	vadd.s32 v0, v55  }
0x2c9: {  	v8 =	vsel vm5, $0x4, v1;
	v0 =	vcvt.s32.f32 v0  }
0x2ca: {  	v2 =	vor.u32 v47, v8  }
0x2cb: {  	[tilespmem:s21+$0x200] =	vst v0;
	v0 =	vor.u32 $0x1, v2;
	vm6 =	vgt.f32 v33, v54  }
0x2cc: {  	v18 =	vld [tilespmem:$0x1FF60];
	v58 =	vsel vm6, $0x4, v1  }
0x2cd: {  	v5 =	vor.u32 v50, v58;
	v8 =	vld.idx.msk [tilespmem:v56+s2+$0x0], $0xffff  }
0x2ce: {  	v57 =	vld.idx.msk [tilespmem:v32+s2+$0x0], $0xffff;
	v11 =	vor.u32 $0x1, v5  }
0x2cf: {  	v61 =	vld [tilespmem:$0x1FFA0]  }
0x2d0: {  	v0 =	vld.idx.msk [tilespmem:v0+s2+$0x0], $0xffff  }
0x2d1: {  	v59 =	vld [tilespmem:$0x1FFE0]  }
0x2d2: {  	vm7 =	vgt.f32 v18, v8  }
0x2d3: {  	v11 =	vld.idx.msk [tilespmem:v11+s2+$0x0], $0xffff;
	v8 =	vsel vm7, $0x4, v1  }
0x2d4: {  	v4 =	vor.u32 v61, v8  }
0x2d5: {  	vm9 =	vgt.f32 v7, v0;
	v12 =	vor.u32 $0x1, v4  }
0x2d6: {  	vm8 =	vgt.f32 v59, v57;
	v0 =	vsel vm9, $0x2, v1  }
0x2d7: {  	v63 =	vsel vm8, $0x4, v1;
	v0 =	vor.u32 v0, v2  }
0x2d8: {  	v8 =	vor.u32 v30, v63;
	vm10 =	vgt.f32 v33, v11  }
0x2d9: {  	v16 =	vor.u32 $0x1, v8;
	v21 =	vsel vm10, $0x2, v1  }
0x2da: {  	v5 =	vor.u32 v21, v5;
	v2 =	vld.idx.msk [tilespmem:v12+s2+$0x0], $0xffff;
	_ =	sdelay $0x1  }
0x2db: {  	v23 =	vld.idx.msk [tilespmem:v0+s2+$0x0], $0xffff;
	_ =	sdelay $0x1  }
0x2dc: {  	v20 =	vld.idx.msk [tilespmem:v16+s2+$0x0], $0xffff  }
0x2dd: {  	v26 =	vld.idx.msk [tilespmem:v5+s2+$0x0], $0xffff;
	vm11 =	vgt.f32 v18, v2  }
0x2de: {  	v2 =	vsel vm11, $0x2, v1  }
0x2df: {  	v30 =	vld.idx.msk [tilespmem:v41+s2+$0x0], $0xffff;
	vm14 =	vgt.f32 v7, v23;
	v2 =	vor.u32 v2, v4  }
0x2e0: {  	v13 =	vsel vm14, $0xFFFFFFF9, v39  }
0x2e1: {  	v12 =	vld [tilespmem:s17+$0x310];
	v0 =	vadd.s32 v0, v13;
	vm12 =	vgt.f32 v59, v20  }
0x2e2: {  	v0 =	vcvt.s32.f32 v0;
	v11 =	vsel vm12, $0x2, v1;
	vm4 =	vgt.f32 v33, v26;
	v4 =	vld [tilespmem:s21+$0x310]  }
0x2e3: {  	v6 =	vmov v15;
	v8 =	vor.u32 v11, v8;
	v20 =	vsel vm4, $0xFFFFFFF9, v39  }
0x2e4: {  	vm5 =	vgt.f32 v6, v30;
	[tilespmem:s17+$0x290] =	vst v0;
	v0 =	vadd.s32 v5, v20;
	v32 =	vld.idx.msk [tilespmem:v2+s2+$0x0], $0xffff  }
0x2e5: {  	v6 =	vsel vm5, $0xFFFFFFF9, v39;
	v0 =	vcvt.s32.f32 v0  }
0x2e6: {  	v6 =	vadd.s32 v41, v6;
	vm13 =	vgt.f32 v12, v3  }
0x2e7: {  	v27 =	vsel vm13, $0x8, v1;
	[tilespmem:s21+$0x290] =	vst v0;
	v0 =	vcvt.s32.f32 v6;
	vm15 =	vgt.f32 v4, v3  }
0x2e8: {  	v31 =	vor.u32 $0x3, v27;
	v34 =	vld.idx.msk [tilespmem:v8+s2+$0x0], $0xffff;
	v33 =	vsel vm15, $0x8, v1  }
0x2e9: {  	[tilespmem:s13+$0x280] =	vst v0;
	v36 =	vor.u32 $0x3, v33;
	vm6 =	vgt.f32 v18, v32  }
0x2ea: {  	v51 =	vld [tilespmem:$0x1FF90];
	v47 =	vsel vm6, $0xFFFFFFF9, v39  }
0x2eb: {  	v2 =	vadd.s32 v2, v47  }
0x2ec: {  	v2 =	vcvt.s32.f32 v2  }
0x2ed: {  	v45 =	vld.idx.msk [tilespmem:v31+s2+$0x0], $0xffff;
	vm7 =	vgt.f32 v59, v34  }
0x2ee: {  	v49 =	vsel vm7, $0xFFFFFFF9, v39;
	v48 =	vld.idx.msk [tilespmem:v36+s2+$0x0], $0xffff;
	[tilespmem:s17+$0x280] =	vst v2  }
0x2ef: {  	v8 =	vadd.s32 v8, v49;
	v54 =	vld [tilespmem:$0x1FFD0]  }
0x2f0: {  	v0 =	vcvt.s32.f32 v8;
	_ =	sdelay $0x1  }
0x2f1: {  	vm8 =	vgt.f32 v28, v46;
	vm9 =	vgt.f32 v12, v45;
	v8 =	vld.idx.msk [tilespmem:v51+s2+$0x0], $0xffff;
	[tilespmem:s21+$0x280] =	vst v0  }
0x2f2: {  	v50 =	vsel vm8, $0x2, v1;
	v52 =	vsel vm9, $0x4, v1;
	v55 =	vld.idx.msk [tilespmem:v19+s2+$0x0], $0xffff  }
0x2f3: {  	v53 =	vor.u32 v27, v52;
	v2 =	vor.u32 v50, v44;
	vm10 =	vgt.f32 v4, v48;
	v57 =	vld [tilespmem:$0x1FF50]  }
0x2f4: {  	v0 =	vor.u32 $0x1, v53;
	v63 =	vld [tilespmem:$0x1FF70];
	v56 =	vsel vm10, $0x4, v1  }
0x2f5: {  	v17 =	vld [tilespmem:$0x1FF80];
	v9 =	vor.u32 v33, v56  }
0x2f6: {  	v58 =	vor.u32 $0x1, v9;
	v7 =	vld.idx.msk [tilespmem:v54+s2+$0x0], $0xffff  }
0x2f7: {  	v23 =	vld [tilespmem:$0x1FFC0]  }
0x2f8: {  	v59 =	vld.idx.msk [tilespmem:v2+s2+$0x0], $0xffff  }
0x2f9: {  	v0 =	vld.idx.msk [tilespmem:v0+s2+$0x0], $0xffff  }
0x2fa: {  	vm11 =	vgt.f32 v57, v8;
	vm13 =	vgt.f32 v22, v55  }
0x2fb: {  	v61 =	vsel vm11, $0x4, v1;
	v26 =	vsel vm13, $0x4, v1;
	v8 =	vld.idx.msk [tilespmem:v58+s2+$0x0], $0xffff;
	vm12 =	vgt.f32 v63, v7  }
0x2fc: {  	v15 =	vor.u32 v25, v26;
	v7 =	vor.u32 v17, v61;
	v20 =	vsel vm12, $0x4, v1  }
0x2fd: {  	vm14 =	vgt.f32 v28, v59;
	v21 =	vor.u32 $0x1, v7;
	v13 =	vor.u32 v23, v20  }
0x2fe: {  	vm15 =	vgt.f32 v12, v0;
	v0 =	vsel vm14, $0xFFFFFFF9, v39;
	v27 =	vor.u32 $0x1, v13  }
0x2ff: {  	v30 =	vor.u32 $0x1, v15;
	v0 =	vadd.s32 v2, v0  }
0x300: {  	v32 =	vsel vm15, $0x2, v1;
	v0 =	vcvt.s32.f32 v0;
	vm4 =	vgt.f32 v4, v8  }
0x301: {  	v2 =	vor.u32 v32, v53;
	v36 =	vsel vm4, $0x2, v1  }
0x302: {  	vm5 =	vgt.f32 v62, v43;
	[tilespmem:s13+$0x310] =	vst v0;
	v0 =	vor.u32 v36, v9;
	v31 =	vld.idx.msk [tilespmem:v21+s2+$0x0], $0xffff  }
0x303: {  	v41 =	vsel vm5, $0x2, v1;
	v33 =	vld.idx.msk [tilespmem:v27+s2+$0x0], $0xffff  }
0x304: {  	s0 =	sadd.s32 $0x1, s24;
	v43 =	vor.u32 v41, v38;
	v34 =	vld.idx.msk [tilespmem:v30+s2+$0x0], $0xffff  }
0x305: {  	s1 =	sand.u32 $0x3, s0  }
0x306: {  	s1 =	sshll.u32 s1, $0x5;
	v44 =	vld.idx.msk [tilespmem:v2+s2+$0x0], $0xffff  }
0x307: {  	s1 =	sadd.s32 s1, s14;
	v47 =	vld.idx.msk [tilespmem:v0+s2+$0x0], $0xffff;
	vm6 =	vgt.f32 v57, v31  }
0x308: {  	s3 =	sadd.s32 $0x10, s1;
	v11 =	vsel vm6, $0x2, v1;
	vm7 =	vgt.f32 v63, v33  }
0x309: {  	s24 =	sor.u32 $0x300, s3;
	v49 =	vld.idx.msk [tilespmem:v43+s2+$0x0], $0xffff;
	vm8 =	vgt.f32 v22, v34;
	v45 =	vor.u32 v11, v7;
	v46 =	vsel vm7, $0x2, v1  }
0x30a: {  	v6 =	vld [tilespmem:s24+$0x80];
	v8 =	vsel vm8, $0x2, v1;
	v7 =	vor.u32 v46, v13  }
0x30b: {  	s0 =	sadd.s32 $0x1, s0;
	v48 =	vor.u32 v8, v15;
	vm10 =	vgt.f32 v12, v44  }
0x30c: {  	s4 =	sand.u32 $0x3, s0;
	s0 =	sadd.s32 $0x1, s0;
	v12 =	vsel vm10, $0xFFFFFFF9, v39;
	vm11 =	vgt.f32 v4, v47  }
0x30d: {  	s0 =	sand.u32 $0x3, s0;
	v2 =	vadd.s32 v2, v12;
	v55 =	vsel vm11, $0xFFFFFFF9, v39  }
0x30e: {  	s0 =	sshll.u32 s0, $0x5;
	v2 =	vcvt.s32.f32 v2;
	v0 =	vadd.s32 v0, v55;
	v51 =	vld.idx.msk [tilespmem:v45+s2+$0x0], $0xffff  }
0x30f: {  	s4 =	sshll.u32 s4, $0x5;
	s14 =	sadd.s32 s0, s31;
	vm12 =	vgt.f32 v62, v49;
	vm9 =	vgt.f32 v6, v3;
	v0 =	vcvt.s32.f32 v0;
	v53 =	vld.idx.msk [tilespmem:v7+s2+$0x0], $0xffff  }
0x310: {  	s8 =	sadd.s32 s4, s18;
	s29 =	sadd.s32 $0x10, s14;
	v56 =	vsel vm12, $0xFFFFFFF9, v39;
	v50 =	vsel vm9, $0x8, v1;
	v54 =	vld.idx.msk [tilespmem:v48+s2+$0x0], $0xffff;
	[tilespmem:s17+$0x310] =	vst v2  }
0x311: {  	s18 =	sadd.s32 $0x10, s8;
	s0 =	sor.u32 $0x300, s29;
	v52 =	vor.u32 $0x3, v50;
	v2 =	vadd.s32 v43, v56;
	[tilespmem:s21+$0x310] =	vst v0  }
0x312: {  	s4 =	sor.u32 $0x300, s18;
	v2 =	vcvt.s32.f32 v2;
	v8 =	vld [tilespmem:s0+$0x80]  }
0x313: {  	v9 =	vld [tilespmem:s4+$0x80];
	vm13 =	vgt.f32 v57, v51  }
0x314: {  	[tilespmem:s12+$0x300] =	vst v2;
	v58 =	vsel vm13, $0xFFFFFFF9, v39;
	vm14 =	vgt.f32 v63, v53  }
0x315: {  	vm15 =	vgt.f32 v22, v54;
	v12 =	vld [tilespmem:s25+$0x80];
	v5 =	vadd.s32 v45, v58;
	v0 =	vsel vm14, $0xFFFFFFF9, v39  }
0x316: {  	v4 =	vsel vm15, $0xFFFFFFF9, v39;
	v57 =	vld.idx.msk [tilespmem:v52+s2+$0x0], $0xffff;
	v2 =	vcvt.s32.f32 v5;
	v0 =	vadd.s32 v7, v0  }
0x317: {  	v4 =	vadd.s32 v48, v4;
	vm6 =	vgt.f32 v8, v3;
	v0 =	vcvt.s32.f32 v0  }
0x318: {  	s30 =	sor.u32 $0x300, s1;
	vm4 =	vgt.f32 v9, v3;
	v62 =	vsel vm6, $0x8, v1;
	[tilespmem:s13+$0x300] =	vst v2;
	v2 =	vcvt.s32.f32 v4  }
0x319: {  	s12 =	sor.u32 $0x300, s8;
	v27 =	vor.u32 $0x3, v62;
	v15 =	vld [tilespmem:s30+$0x80];
	[tilespmem:s17+$0x300] =	vst v0;
	v0 =	vsel vm4, $0x8, v1  }
0x31a: {  	vm7 =	vgt.f32 v12, v3;
	s13 =	sor.u32 $0x300, s14;
	[tilespmem:s21+$0x300] =	vst v2;
	v61 =	vor.u32 $0x3, v0;
	v13 =	vld [tilespmem:s12+$0x80]  }
0x31b: {  	v63 =	vsel vm7, $0x8, v1;
	vm5 =	vgt.f32 v6, v57;
	v11 =	vld [tilespmem:s13+$0x80]  }
0x31c: {  	v28 =	vor.u32 $0x3, v63;
	v59 =	vsel vm5, $0x4, v1  }
0x31d: {  	v2 =	vor.u32 v50, v59  }
0x31e: {  	v4 =	vor.u32 $0x1, v2;
	v17 =	vld.idx.msk [tilespmem:v27+s2+$0x0], $0xffff;
	vm8 =	vgt.f32 v15, v3  }
0x31f: {  	v30 =	vsel vm8, $0x8, v1;
	v5 =	vld.idx.msk [tilespmem:v61+s2+$0x0], $0xffff;
	vm9 =	vgt.f32 v13, v3  }
0x320: {  	v31 =	vor.u32 $0x3, v30;
	vm10 =	vgt.f32 v11, v3;
	v21 =	vsel vm9, $0x8, v1  }
0x321: {  	v18 =	vld.idx.msk [tilespmem:v28+s2+$0x0], $0xffff;
	v33 =	vsel vm10, $0x8, v1;
	v32 =	vor.u32 $0x3, v21  }
0x322: {  	v34 =	vor.u32 $0x3, v33  }
0x323: {  	v4 =	vld.idx.msk [tilespmem:v4+s2+$0x0], $0xffff;
	vm14 =	vgt.f32 v8, v17  }
0x324: {  	vm11 =	vgt.f32 v14, v40;
	v41 =	vsel vm14, $0x4, v1;
	vm12 =	vgt.f32 v9, v5  }
0x325: {  	v36 =	vsel vm11, $0x4, v1;
	v7 =	vor.u32 v62, v41;
	v20 =	vld.idx.msk [tilespmem:v31+s2+$0x0], $0xffff;
	v38 =	vsel vm12, $0x4, v1  }
0x326: {  	vm15 =	vgt.f32 v12, v18;
	v18 =	vor.u32 $0x1, v7;
	v0 =	vor.u32 v0, v38;
	v22 =	vld.idx.msk [tilespmem:v32+s2+$0x0], $0xffff  }
0x327: {  	v37 =	vor.u32 v37, v36;
	v43 =	vsel vm15, $0x4, v1;
	v40 =	vld.idx.msk [tilespmem:v34+s2+$0x0], $0xffff;
	v26 =	vor.u32 $0x1, v0  }
0x328: {  	v27 =	vor.u32 $0x1, v37;
	v16 =	vor.u32 v63, v43;
	vm13 =	vgt.f32 v6, v4  }
0x329: {  	s26 =	sor.u32 $0x380, s26;
	[tilespmem:s28+$0x80] =	vst v42;
	v44 =	vor.u32 $0x1, v16;
	v4 =	vsel vm13, $0x2, v1  }
0x32a: {  	v2 =	vor.u32 v4, v2;
	v4 =	vld [tilespmem:s26+$0x80];
	vm4 =	vgt.f32 v15, v20  }
0x32b: {  	v18 =	vld.idx.msk [tilespmem:v18+s2+$0x0], $0xffff;
	v45 =	vsel vm4, $0x4, v1;
	vm5 =	vgt.f32 v13, v22  }
0x32c: {  	v19 =	vor.u32 v30, v45;
	vm6 =	vgt.f32 v11, v40;
	v46 =	vld.idx.msk [tilespmem:v26+s2+$0x0], $0xffff;
	v47 =	vsel vm5, $0x4, v1  }
0x32d: {  	v48 =	vld.idx.msk [tilespmem:v27+s2+$0x0], $0xffff;
	v49 =	vor.u32 $0x1, v19;
	v50 =	vsel vm6, $0x4, v1;
	v21 =	vor.u32 v21, v47  }
0x32e: {  	v20 =	vld.idx.msk [tilespmem:v44+s2+$0x0], $0xffff;
	v23 =	vor.u32 v33, v50;
	v51 =	vor.u32 $0x1, v21  }
0x32f: {  	vm7 =	vgt.f32 v4, v3;
	v25 =	vor.u32 $0x1, v23  }
0x330: {  	v53 =	vld.idx.msk [tilespmem:v2+s2+$0x0], $0xffff;
	v52 =	vsel vm7, $0x8, v1;
	vm10 =	vgt.f32 v8, v18  }
0x331: {  	v54 =	vor.u32 $0x3, v52;
	v18 =	vsel vm10, $0x2, v1;
	vm8 =	vgt.f32 v9, v46  }
0x332: {  	vm9 =	vgt.f32 v14, v48;
	v7 =	vor.u32 v18, v7;
	v26 =	vld.idx.msk [tilespmem:v49+s2+$0x0], $0xffff;
	v55 =	vsel vm8, $0x2, v1  }
0x333: {  	v31 =	vsel vm9, $0x2, v1;
	vm11 =	vgt.f32 v12, v20;
	v0 =	vor.u32 v55, v0;
	v56 =	vld.idx.msk [tilespmem:v51+s2+$0x0], $0xffff  }
0x334: {  	v57 =	vor.u32 v31, v37;
	v59 =	vsel vm11, $0x2, v1;
	v58 =	vld.idx.msk [tilespmem:v25+s2+$0x0], $0xffff  }
0x335: {  	vm12 =	vgt.f32 v6, v53;
	v6 =	vor.u32 v59, v16  }
0x336: {  	v62 =	vsel vm12, $0xFFFFFFF9, v39;
	v61 =	vld.idx.msk [tilespmem:v54+s2+$0x0], $0xffff  }
0x337: {  	v2 =	vadd.s32 v2, v62;
	v31 =	vld.idx.msk [tilespmem:v7+s2+$0x0], $0xffff;
	vm13 =	vgt.f32 v15, v26  }
0x338: {  	v2 =	vcvt.s32.f32 v2;
	v25 =	vsel vm13, $0x2, v1;
	v63 =	vld.idx.msk [tilespmem:v0+s2+$0x0], $0xffff;
	vm14 =	vgt.f32 v13, v56  }
0x339: {  	v26 =	vld.idx.msk [tilespmem:v57+s2+$0x0], $0xffff;
	v19 =	vor.u32 v25, v19;
	vm15 =	vgt.f32 v11, v58;
	v30 =	vsel vm14, $0x2, v1  }
0x33a: {  	[tilespmem:s24+$0x80] =	vst v2;
	v2 =	vld.idx.msk [tilespmem:v6+s2+$0x0], $0xffff;
	v5 =	vsel vm15, $0x2, v1;
	v20 =	vor.u32 v30, v21  }
0x33b: {  	vm4 =	vgt.f32 v10, v3;
	v32 =	vor.u32 v5, v23  }
0x33c: {  	s3 =	sor.u32 $0x380, s3;
	v18 =	vsel vm4, $0x8, v1;
	vm5 =	vgt.f32 v4, v61  }
0x33d: {  	v33 =	vsel vm5, $0x4, v1;
	vm8 =	vgt.f32 v8, v31;
	v5 =	vld [tilespmem:s3+$0x80];
	vm6 =	vgt.f32 v9, v63  }
0x33e: {  	v34 =	vor.u32 v52, v33;
	vm7 =	vgt.f32 v14, v26;
	v38 =	vld.idx.msk [tilespmem:v19+s2+$0x0], $0xffff;
	v9 =	vsel vm6, $0xFFFFFFF9, v39  }
0x33f: {  	vm9 =	vgt.f32 v12, v2;
	v41 =	vsel vm7, $0xFFFFFFF9, v39;
	v0 =	vadd.s32 v0, v9;
	v42 =	vld.idx.msk [tilespmem:v20+s2+$0x0], $0xffff  }
0x340: {  	v2 =	vsel vm8, $0xFFFFFFF9, v39;
	v23 =	vadd.s32 v57, v41;
	v43 =	vld.idx.msk [tilespmem:v32+s2+$0x0], $0xffff;
	v0 =	vcvt.s32.f32 v0  }
0x341: {  	v40 =	vor.u32 $0x1, v34;
	v2 =	vadd.s32 v7, v2;
	v23 =	vcvt.s32.f32 v23  }
0x342: {  	s28 =	sor.u32 $0x380, s18;
	v2 =	vcvt.s32.f32 v2;
	vm10 =	vgt.f32 v5, v3;
	[tilespmem:s4+$0x80] =	vst v0;
	v0 =	vsel vm9, $0xFFFFFFF9, v39  }
0x343: {  	[tilespmem:s23+$0x80] =	vst v23;
	v46 =	vsel vm10, $0x8, v1;
	vm11 =	vgt.f32 v15, v38;
	v0 =	vadd.s32 v6, v0;
	v8 =	vld [tilespmem:s28+$0x80]  }
0x344: {  	s31 =	sor.u32 $0x380, s29;
	[tilespmem:s0+$0x80] =	vst v2;
	v44 =	vsel vm11, $0xFFFFFFF9, v39;
	v6 =	vld [tilespmem:s20+$0x80];
	v0 =	vcvt.s32.f32 v0;
	vm12 =	vgt.f32 v13, v42  }
0x345: {  	v7 =	vadd.s32 v19, v44;
	vm13 =	vgt.f32 v11, v43;
	v11 =	vld [tilespmem:s31+$0x80];
	v2 =	vsel vm12, $0xFFFFFFF9, v39  }
0x346: {  	v47 =	vld.idx.msk [tilespmem:v35+s2+$0x0], $0xffff;
	v45 =	vsel vm13, $0xFFFFFFF9, v39;
	[tilespmem:s25+$0x80] =	vst v0;
	v0 =	vcvt.s32.f32 v7;
	v2 =	vadd.s32 v20, v2  }
0x347: {  	v48 =	vor.u32 $0x3, v46;
	v7 =	vadd.s32 v32, v45;
	v9 =	vld [tilespmem:s22+$0x80];
	v2 =	vcvt.s32.f32 v2  }
0x348: {  	s1 =	sor.u32 $0x380, s1;
	v49 =	vor.u32 $0x3, v18;
	v17 =	vld.idx.msk [tilespmem:v40+s2+$0x0], $0xffff;
	vm14 =	vgt.f32 v8, v3;
	[tilespmem:s30+$0x80] =	vst v0;
	v0 =	vcvt.s32.f32 v7  }
0x349: {  	s8 =	sor.u32 $0x380, s8;
	vm15 =	vgt.f32 v6, v3;
	v50 =	vsel vm14, $0x8, v1;
	v12 =	vld [tilespmem:s1+$0x80];
	[tilespmem:s12+$0x80] =	vst v2  }
0x34a: {  	s14 =	sor.u32 $0x380, s14;
	vm4 =	vgt.f32 v11, v3;
	v2 =	vor.u32 $0x3, v50;
	v14 =	vld [tilespmem:s8+$0x80];
	[tilespmem:s13+$0x80] =	vst v0;
	v0 =	vsel vm15, $0x8, v1  }
0x34b: {  	vm6 =	vgt.f32 v60, v47;
	v52 =	vsel vm4, $0x8, v1;
	v13 =	vld [tilespmem:s14+$0x80];
	v51 =	vor.u32 $0x3, v0  }
0x34c: {  	v56 =	vsel vm6, $0x2, v1;
	v53 =	vld.idx.msk [tilespmem:v48+s2+$0x0], $0xffff;
	v55 =	vor.u32 $0x3, v52;
	vm5 =	vgt.f32 v9, v3  }
0x34d: {  	v26 =	vor.u32 v56, v29;
	v7 =	vld.idx.msk [tilespmem:v49+s2+$0x0], $0xffff;
	v54 =	vsel vm5, $0x8, v1  }
0x34e: {  	vm10 =	vgt.f32 v4, v17;
	v57 =	vor.u32 $0x3, v54;
	vm7 =	vgt.f32 v12, v3  }
0x34f: {  	v36 =	vsel vm10, $0x2, v1;
	v2 =	vld.idx.msk [tilespmem:v2+s2+$0x0], $0xffff;
	v58 =	vsel vm7, $0x8, v1;
	vm8 =	vgt.f32 v14, v3  }
0x350: {  	v59 =	vor.u32 $0x3, v58;
	v61 =	vsel vm8, $0x8, v1;
	vm9 =	vgt.f32 v13, v3;
	v3 =	vld.idx.msk [tilespmem:v51+s2+$0x0], $0xffff  }
0x351: {  	vm11 =	vgt.f32 v5, v53;
	v37 =	vld.idx.msk [tilespmem:v55+s2+$0x0], $0xffff;
	v62 =	vor.u32 $0x3, v61;
	v63 =	vsel vm9, $0x8, v1  }
0x352: {  	v40 =	vsel vm11, $0x4, v1;
	vm12 =	vgt.f32 v10, v7;
	v38 =	vor.u32 $0x3, v63  }
0x353: {  	v16 =	vor.u32 v36, v34;
	v7 =	vor.u32 v46, v40;
	v41 =	vsel vm12, $0x4, v1;
	v27 =	vld.idx.msk [tilespmem:v57+s2+$0x0], $0xffff  }
0x354: {  	v15 =	vor.u32 $0x1, v7;
	vm13 =	vgt.f32 v8, v2;
	v2 =	vor.u32 v18, v41  }
0x355: {  	v42 =	vsel vm13, $0x4, v1;
	v29 =	vld.idx.msk [tilespmem:v59+s2+$0x0], $0xffff;
	v31 =	vor.u32 $0x1, v2;
	vm14 =	vgt.f32 v6, v3  }
0x356: {  	vm15 =	vgt.f32 v11, v37;
	v3 =	vor.u32 v50, v42;
	v17 =	vld.idx.msk [tilespmem:v62+s2+$0x0], $0xffff;
	v43 =	vsel vm14, $0x4, v1  }
0x357: {  	v45 =	vsel vm15, $0x4, v1;
	v21 =	vor.u32 $0x1, v3;
	v44 =	vld.idx.msk [tilespmem:v38+s2+$0x0], $0xffff;
	v0 =	vor.u32 v0, v43  }
0x358: {  	v18 =	vor.u32 v52, v45;
	vm4 =	vgt.f32 v9, v27;
	v46 =	vor.u32 $0x1, v0  }
0x359: {  	v53 =	vld.idx.msk [tilespmem:v16+s2+$0x0], $0xffff;
	v23 =	vor.u32 $0x1, v18;
	v27 =	vsel vm4, $0x4, v1  }
0x35a: {  	v15 =	vld.idx.msk [tilespmem:v15+s2+$0x0], $0xffff;
	v20 =	vor.u32 v54, v27;
	vm5 =	vgt.f32 v12, v29  }
0x35b: {  	v47 =	vld.idx.msk [tilespmem:v31+s2+$0x0], $0xffff;
	v48 =	vor.u32 $0x1, v20;
	v49 =	vsel vm5, $0x4, v1;
	vm6 =	vgt.f32 v14, v17  }
0x35c: {  	v50 =	vld.idx.msk [tilespmem:v21+s2+$0x0], $0xffff;
	v51 =	vor.u32 v58, v49;
	v52 =	vsel vm6, $0x4, v1;
	vm7 =	vgt.f32 v13, v44  }
0x35d: {  	v31 =	vor.u32 $0x1, v51;
	v28 =	vor.u32 v61, v52;
	v54 =	vsel vm7, $0x4, v1;
	v25 =	vld.idx.msk [tilespmem:v46+s2+$0x0], $0xffff  }
0x35e: {  	v56 =	vld.idx.msk [tilespmem:v23+s2+$0x0], $0xffff;
	v55 =	vor.u32 $0x1, v28;
	v22 =	vor.u32 v63, v54  }
0x35f: {  	vm8 =	vgt.f32 v5, v15;
	v57 =	vor.u32 $0x1, v22  }
0x360: {  	vm11 =	vgt.f32 v4, v53;
	v58 =	vsel vm8, $0x2, v1;
	vm9 =	vgt.f32 v10, v47;
	v29 =	vld.idx.msk [tilespmem:v48+s2+$0x0], $0xffff  }
0x361: {  	v59 =	vld.idx.msk [tilespmem:v26+s2+$0x0], $0xffff;
	v7 =	vor.u32 v58, v7;
	v61 =	vsel vm9, $0x2, v1;
	vm10 =	vgt.f32 v8, v50  }
0x362: {  	v2 =	vor.u32 v61, v2;
	v63 =	vsel vm10, $0x2, v1;
	v31 =	vld.idx.msk [tilespmem:v31+s2+$0x0], $0xffff;
	vm12 =	vgt.f32 v6, v25  }
0x363: {  	vm13 =	vgt.f32 v11, v56;
	v3 =	vor.u32 v63, v3;
	v33 =	vld.idx.msk [tilespmem:v55+s2+$0x0], $0xffff;
	v34 =	vsel vm12, $0x2, v1  }
0x364: {  	v19 =	vsel vm11, $0xFFFFFFF9, v39;
	v36 =	vsel vm13, $0x2, v1;
	v35 =	vld.idx.msk [tilespmem:v57+s2+$0x0], $0xffff;
	v0 =	vor.u32 v34, v0  }
0x365: {  	v16 =	vadd.s32 v16, v19;
	v18 =	vor.u32 v36, v18;
	vm14 =	vgt.f32 v9, v29  }
0x366: {  	v16 =	vcvt.s32.f32 v16;
	v37 =	vld.idx.msk [tilespmem:v7+s2+$0x0], $0xffff;
	v38 =	vsel vm14, $0x2, v1  }
0x367: {  	v62 =	vcvt.s32.f32 v24;
	v40 =	vld.idx.msk [tilespmem:v2+s2+$0x0], $0xffff;
	v20 =	vor.u32 v38, v20;
	vm15 =	vgt.f32 v12, v31  }
0x368: {  	vm4 =	vgt.f32 v60, v59;
	v41 =	vld.idx.msk [tilespmem:v3+s2+$0x0], $0xffff;
	v42 =	vsel vm15, $0x2, v1;
	vm5 =	vgt.f32 v14, v33  }
0x369: {  	v43 =	vor.u32 v42, v51;
	v44 =	vsel vm5, $0x2, v1;
	vm6 =	vgt.f32 v13, v35;
	v46 =	vld.idx.msk [tilespmem:v0+s2+$0x0], $0xffff  }
0x36a: {  	v45 =	vsel vm4, $0xFFFFFFF9, v39;
	v48 =	vld.idx.msk [tilespmem:v18+s2+$0x0], $0xffff;
	v21 =	vor.u32 v44, v28;
	v47 =	vsel vm6, $0x2, v1  }
0x36b: {  	v15 =	vadd.s32 v26, v45;
	vm7 =	vgt.f32 v5, v37;
	v49 =	vor.u32 v47, v22  }
0x36c: {  	v15 =	vcvt.s32.f32 v15;
	v50 =	vsel vm7, $0xFFFFFFF9, v39;
	vm8 =	vgt.f32 v10, v40;
	v51 =	vld.idx.msk [tilespmem:v20+s2+$0x0], $0xffff  }
0x36d: {  	v7 =	vadd.s32 v7, v50;
	v52 =	vsel vm8, $0xFFFFFFF9, v39;
	vm9 =	vgt.f32 v8, v41  }
0x36e: {  	v7 =	vcvt.s32.f32 v7;
	v2 =	vadd.s32 v2, v52;
	v8 =	vsel vm9, $0xFFFFFFF9, v39;
	v53 =	vld.idx.msk [tilespmem:v43+s2+$0x0], $0xffff  }
0x36f: {  	[tilespmem:s26+$0x80] =	vst v16;
	v2 =	vcvt.s32.f32 v2;
	vm10 =	vgt.f32 v6, v46;
	vm11 =	vgt.f32 v11, v48;
	v54 =	vld.idx.msk [tilespmem:v21+s2+$0x0], $0xffff  }
0x370: {  	[tilespmem:s15+$0x80] =	vst v62;
	v3 =	vadd.s32 v3, v8;
	v55 =	vsel vm10, $0xFFFFFFF9, v39;
	v57 =	vsel vm11, $0xFFFFFFF9, v39;
	v56 =	vld.idx.msk [tilespmem:v49+s2+$0x0], $0xffff  }
0x371: {  	[tilespmem:s19+$0x80] =	vst v15;
	v3 =	vcvt.s32.f32 v3;
	v0 =	vadd.s32 v0, v55;
	vm12 =	vgt.f32 v9, v51  }
0x372: {  	[tilespmem:s3+$0x80] =	vst v7;
	v58 =	vadd.s32 v18, v57;
	v0 =	vcvt.s32.f32 v0;
	v59 =	vsel vm12, $0xFFFFFFF9, v39  }
0x373: {  	[tilespmem:s16+$0x80] =	vst v2;
	v2 =	vcvt.s32.f32 v58;
	v60 =	vadd.s32 v20, v59;
	vm13 =	vgt.f32 v12, v53  }
0x374: {  	[tilespmem:s28+$0x80] =	vst v3;
	v3 =	vcvt.s32.f32 v60;
	v61 =	vsel vm13, $0xFFFFFFF9, v39;
	vm14 =	vgt.f32 v14, v54  }
0x375: {  	[tilespmem:s20+$0x80] =	vst v0;
	v0 =	vadd.s32 v43, v61;
	v62 =	vsel vm14, $0xFFFFFFF9, v39;
	vm15 =	vgt.f32 v13, v56  }
0x376: {  	[tilespmem:s31+$0x80] =	vst v2;
	v0 =	vcvt.s32.f32 v0;
	v2 =	vadd.s32 v21, v62;
	v63 =	vsel vm15, $0xFFFFFFF9, v39  }
0x377: {  	[tilespmem:s22+$0x80] =	vst v3;
	v2 =	vcvt.s32.f32 v2;
	v3 =	vadd.s32 v49, v63  }
0x378: {  	s11 =	sadd.s32 $0x1, s11;
	[tilespmem:s1+$0x80] =	vst v0;
	v0 =	vcvt.s32.f32 v3  }
0x379: {  	p0 =	sne.s32 s11, s6;
	[tilespmem:s8+$0x80] =	vst v2  }
.Ltmp1:
0x37a: {  	s1 =	simm.s32 $0x80;
	[tilespmem:s14+$0x80] =	vst v0;
	(pc) =	sbr.rel @p0 .LBB2_1-.Ltmp1, $4  }
0x37b: {  	[hbm4b:s5+s2] =	stream.linear.scatter [tilespmem:s1], [sflag:$0x2], $0x8000, $0x38;
	[tilespmem:$0x8080] =	vst v63  }
0x37c: {  	_ =	swait.ge [sflag:s10], $0x8000  }
0x37d: {  	[sflag:s10] =	ssyncset.done $0x0  }
0x37e: {  	[sflag:s10] =	ssyncadd.s32 $0xFFFF8000  }
0x37f: {  	_ =	sfence.sel $0x180000  }
0x380: {  	[bflag:$0x0] =	sbarrier.arrive $0xFFFF  }
0x381: {  	_ =	strace $0x90000047  }
0x382: {  	s0 =	stileid.u32;
	[bflag:$0x2] =	sbarrier.arrive $0xFFFF  }
0x383: {  	p0 =	sne.s32 s0, $0x0;
	s0 =	rddreg [dreg:$0x2]  }
0x384: {  	s0 =	sadd.s32 @!p0 $0x100000, s0  }
0x385: {  	[sflag:s0] =	ssyncadd.tile.s32 @!p0 $0x1;
	_ =	shalt  }
.Lfunc_end2:
_tile_overlayer_lowered:
.L_overlay_start_2:
0x386: {  	(tag) =	ssettag $0x2  }
0x387: {  	s0 =	rddreg [dreg:$0x0];
	s2 =	stileid.u32  }
0x388: {  	s1 =	rddreg [dreg:$0x1];
	p0 =	sne.s32 s2, $0x0  }
0x389: {  	s3 =	rddreg [dreg:$0x2];
	[bflag:$0x3] =	sbarrier.arrive $0xFFFF;
	s2 =	simm.s32 @!p0 $0x1C03  }
0x38a: {  	[timem:s3], [sflag:s2] =	dma.local @!p0 [hbm:s0], s1  }
0x38b: {  	s0 =	simm.s32 @!p0 $0x3  }
0x38c: {  	_ =	swait.ge @!p0 [sflag:s0], s1  }
0x38d: {  	s1 =	ssub.s32 @!p0 $0x0, s1;
	[sflag:s0] =	ssyncset.done @!p0 $0x0  }
0x38e: {  	[sflag:s0] =	ssyncadd.s32 @!p0 s1  }
0x38f: {  	[bflag:$0x3] =	sbarrier.arrive $0xFFFF  }
0x390: {  	_ =	shalt  }

</sc_bundles>
